<compile_context>
chip_gen: v7x
topology: tpu7x:2x2x1
jax: 0.10.2.dev20260603
libtpu: 0.0.44.dev20260713+nightly
codegen_flags: <defaults>
</compile_context>

<pallas_src>
import functools

import jax
import jax.numpy as jnp
from jax import lax
from jax.experimental import pallas as pl
from jax.experimental.pallas import tpu as pltpu
from jax.experimental.pallas import tpu_sc as plsc

B, N, V_SIDE = 4, 16384, 32
V = V_SIDE ** 3
C = 256
PTS = B * N
PBLK = 2048

NC, NS, L = 2, 16, 16
NW = NC * NS
CG = C // (NW // B)
G = 2
NPASS = CG // G


def _mlp_body(xt_ref, w0_ref, b0_ref, w1_ref, b1_ref, w2_ref, b2_ref,
              ht_ref, flat_ref):
    xt = xt_ref[...]
    h = jnp.maximum(
        jnp.dot(w0_ref[...], xt, preferred_element_type=jnp.float32)
        + b0_ref[...], 0.0)
    h = jnp.maximum(
        jnp.dot(w1_ref[...], h, preferred_element_type=jnp.float32)
        + b1_ref[...], 0.0)
    h = jnp.maximum(
        jnp.dot(w2_ref[...], h, preferred_element_type=jnp.float32)
        + b2_ref[...], 0.0)
    ht_ref[...] = h
    vox = jnp.floor(xt * 32.0).astype(jnp.int32)
    flat = vox[0:1] * 1024 + vox[1:2] * 32 + vox[2:3]
    flat_ref[...] = flat.reshape(1, 1, PBLK)


_mlp_call = pl.pallas_call(
    _mlp_body,
    grid=(PTS // PBLK,),
    in_specs=[
        pl.BlockSpec((4, PBLK), lambda i: (0, i)),
        pl.BlockSpec((64, 4), lambda i: (0, 0)),
        pl.BlockSpec((64, 1), lambda i: (0, 0)),
        pl.BlockSpec((128, 64), lambda i: (0, 0)),
        pl.BlockSpec((128, 1), lambda i: (0, 0)),
        pl.BlockSpec((256, 128), lambda i: (0, 0)),
        pl.BlockSpec((256, 1), lambda i: (0, 0)),
    ],
    out_specs=[
        pl.BlockSpec((C, PBLK), lambda i: (0, i)),
        pl.BlockSpec((1, 1, PBLK), lambda i: (i, 0, 0)),
    ],
    out_shape=[
        jax.ShapeDtypeStruct((C, PTS), jnp.float32),
        jax.ShapeDtypeStruct((PTS // PBLK, 1, PBLK), jnp.int32),
    ],
)


CH = 8192
NCH = N // CH


def _sc_body(ht_hbm, flat_hbm, out_hbm, idx_v, h2_v, grid_v, out_v,
             sem_a, sem_b):
    w = lax.axis_index("s") * NC + lax.axis_index("c")
    b = w // (NW // B)
    cg = w % (NW // B)
    sems = [sem_a, sem_b]
    zero = jnp.zeros((L,), jnp.float32)

    def h_src(c0, k):
        return ht_hbm.at[pl.ds(c0, G), b, pl.ds(k * CH, CH)]

    idx_cp = pltpu.make_async_copy(flat_hbm.at[b], idx_v, sem_b)
    idx_cp.start()

    @plsc.parallel_loop(0, G * V // L, unroll=8)
    def _(i):
        grid_v[pl.ds(i * L, L)] = zero

    idx_cp.wait()

    pltpu.make_async_copy(h_src(cg * CG, 0), h2_v.at[0], sem_a).start()

    def pass_body(p, carry):
        c0 = cg * CG + p * G
        for k in range(NCH):
            buf = k % 2
            pltpu.make_async_copy(h_src(c0, k), h2_v.at[buf],
                                  sems[buf]).wait()
            nbuf = (k + 1) % 2
            if k + 1 < NCH:
                pltpu.make_async_copy(h_src(c0, k + 1), h2_v.at[nbuf],
                                      sems[nbuf]).start()
            else:
                @pl.when(p + 1 < NPASS)
                def _():
                    pltpu.make_async_copy(h_src(c0 + G, 0), h2_v.at[nbuf],
                                          sems[nbuf]).start()

            @plsc.parallel_loop(0, CH // L, unroll=8)
            def _(i):
                iv = idx_v[pl.ds(k * CH + i * L, L)]
                for g in range(G):
                    hv = h2_v[buf, g, pl.ds(i * L, L)]
                    plsc.addupdate_scatter(grid_v, [iv + g * V], hv)

        for g in range(G):
            @plsc.parallel_loop(0, V // (4 * L), unroll=4,
                                carry=(zero, zero, zero, zero))
            def accs(j, accs, g=g):
                base = g * V + j * (4 * L)
                return tuple(
                    jnp.maximum(accs[k], grid_v[pl.ds(base + k * L, L)])
                    for k in range(4))

            @plsc.parallel_loop(0, V // L, unroll=8)
            def _(j, g=g):
                grid_v[pl.ds(g * V + j * L, L)] = zero

            acc = jnp.maximum(jnp.maximum(accs[0], accs[1]),
                              jnp.maximum(accs[2], accs[3]))
            out_v[p * G + g, :] = acc
        return carry

    lax.fori_loop(0, NPASS, pass_body, 0)
    pltpu.sync_copy(out_v, out_hbm.at[b, pl.ds(cg * CG, CG)])


@functools.lru_cache(maxsize=None)
def _sc_scatter_max():
    mesh = plsc.VectorSubcoreMesh(core_axis_name="c", subcore_axis_name="s")
    return pl.kernel(
        _sc_body,
        mesh=mesh,
        compiler_params=pltpu.CompilerParams(needs_layout_passes=False),
        out_type=jax.ShapeDtypeStruct((B, C, L), jnp.float32),
        scratch_types=[
            pltpu.VMEM((N,), jnp.int32),
            pltpu.VMEM((2, G, CH), jnp.float32),
            pltpu.VMEM((G * V,), jnp.float32),
            pltpu.VMEM((CG, L), jnp.float32),
            pltpu.SemaphoreType.DMA,
            pltpu.SemaphoreType.DMA,
        ],
    )


def _gn_leaky(x, gamma, beta, groups):
    cx = x.shape[1]
    gsz = cx // groups
    ci = lax.broadcasted_iota(jnp.int32, (cx, groups), 0) // gsz
    gi = lax.broadcasted_iota(jnp.int32, (cx, groups), 1)
    p = (ci == gi).astype(jnp.float32)
    cit = lax.broadcasted_iota(jnp.int32, (groups, cx), 1) // gsz
    git = lax.broadcasted_iota(jnp.int32, (groups, cx), 0)
    pt = (git == cit).astype(jnp.float32)
    mu = jnp.dot(x, p, preferred_element_type=jnp.float32) / gsz
    m2 = jnp.dot(x * x, p, preferred_element_type=jnp.float32) / gsz
    var = m2 - mu * mu
    muf = jnp.dot(mu, pt, preferred_element_type=jnp.float32)
    varf = jnp.dot(var, pt, preferred_element_type=jnp.float32)
    xn = (x - muf) * lax.rsqrt(varf + 1e-5)
    y = xn * gamma + beta
    return jnp.where(y >= 0, y, 0.01 * y)


def _dot_nt(x, w):
    return lax.dot_general(x, w, (((1,), (1,)), ((), ())),
                           preferred_element_type=jnp.float32)


def _head_body(sf_ref, lw0_ref, lb0_ref, lw1_ref, lb1_ref, lw2_ref, lb2_ref,
               g1g_ref, g1b_ref, g2g_ref, g2b_ref, out_ref):
    sf = jnp.max(sf_ref[...], axis=-1)
    x = _dot_nt(sf, lw0_ref[...]) + lb0_ref[...]
    x = _gn_leaky(x, g1g_ref[...], g1b_ref[...], 16)
    x = _dot_nt(x, lw1_ref[...]) + lb1_ref[...]
    x = _gn_leaky(x, g2g_ref[...], g2b_ref[...], 16)
    out_ref[...] = _dot_nt(x, lw2_ref[...]) + lb2_ref[...]


_head_call = pl.pallas_call(
    _head_body,
    out_shape=jax.ShapeDtypeStruct((B, 2048), jnp.float32),
)


def kernel(scene_pc, W0, b0, W1, b1, W2, b2, LW0, Lb0, LW1, Lb1, LW2, Lb2,
           g1_g, g1_b, g2_g, g2_b):
    xt = scene_pc.reshape(PTS, 4).T
    ht, flat = _mlp_call(
        xt, W0, b0.reshape(64, 1), W1, b1.reshape(128, 1), W2,
        b2.reshape(256, 1))
    ht3 = ht.reshape(C, B, N)
    flat2 = flat.reshape(B, N)
    sf16 = _sc_scatter_max()(ht3, flat2)
    out = _head_call(sf16, LW0, Lb0, LW1, Lb1, LW2, Lb2,
                     g1_g, g1_b, g2_g, g2_b)
    return out

# --- scband reference (transcript-rebuilt; emitter-appended) ---
"""Pipeline reference for scband-simple-scene-net-62002147885294 (READ-ONLY COPY).

The authoritative reference and input builder live on the scoring server;
editing this copy changes nothing except your own understanding.
"""

import jax, jax.numpy as jnp
import numpy as np

B, N, V_SIDE = 4, 16384, 32
V = V_SIDE ** 3
VOX = 0.03125


def setup_inputs(seed: int = 0) -> dict:
    key = jax.random.key(seed)
    ks = jax.random.split(key, 16)
    inp = {}
    inp['scene_pc'] = jax.random.uniform(ks[0], (B, N, 4), dtype=jnp.float32)
    dims = [4, 64, 128, 256]
    for i in range(3):
        inp[f'W{i}'] = jax.random.normal(ks[1 + i], (dims[i + 1], dims[i]), dtype=jnp.float32) * 0.05
        inp[f'b{i}'] = jnp.zeros((dims[i + 1],), dtype=jnp.float32)
    gdims = [256, 512, 1024, 2048]
    for i in range(3):
        inp[f'LW{i}'] = jax.random.normal(ks[4 + i], (gdims[i + 1], gdims[i]), dtype=jnp.float32) * 0.05
        inp[f'Lb{i}'] = jnp.zeros((gdims[i + 1],), dtype=jnp.float32)
    inp['g1_g'] = jnp.ones((512,), dtype=jnp.float32)
    inp['g1_b'] = jnp.zeros((512,), dtype=jnp.float32)
    inp['g2_g'] = jnp.ones((1024,), dtype=jnp.float32)
    inp['g2_b'] = jnp.zeros((1024,), dtype=jnp.float32)
    return inp


def _group_norm(x, gamma, beta, groups, eps=1e-5):
    Bx, C = x.shape
    xg = x.reshape(Bx, groups, C // groups)
    mu = jnp.mean(xg, axis=2, keepdims=True)
    var = jnp.var(xg, axis=2, keepdims=True)
    xn = (xg - mu) / jnp.sqrt(var + eps)
    return xn.reshape(Bx, C) * gamma + beta


def _leaky(x):
    return jnp.where(x >= 0, x, 0.01 * x)


def reference(scene_pc, W0, b0, W1, b1, W2, b2, LW0, Lb0, LW1, Lb1, LW2, Lb2, g1_g, g1_b, g2_g, g2_b):
    xyz = scene_pc[..., 0:3]
    inds = jnp.floor(xyz / VOX).astype(jnp.int32)
    flat = (inds[..., 0] * V_SIDE * V_SIDE + inds[..., 1] * V_SIDE + inds[..., 2]).astype(jnp.int32)  # [B, N]
    # scene_pt_mlp: pointwise Conv1d(4->64->128->256) with ReLU; cat(xyz, feats) == scene_pc channel order
    h = scene_pc
    h = jax.nn.relu(h @ W0.T + b0)
    h = jax.nn.relu(h @ W1.T + b1)
    h = jax.nn.relu(h @ W2.T + b2)  # [B, N, 256]
    # scatter_add over voxel dim, per batch
    flat_off = (flat + jnp.arange(B, dtype=jnp.int32)[:, None] * V).reshape(-1)
    vox = jnp.zeros((B * V, h.shape[-1]), dtype=h.dtype).at[flat_off].add(h.reshape(B * N, -1))
    vox = vox.reshape(B, V, -1)
    scene_feat = jnp.max(vox, axis=1)  # [B, 256] (zeros participate, matching torch)
    x = _leaky(_group_norm(scene_feat @ LW0.T + Lb0, g1_g, g1_b, 16))
    x = _leaky(_group_norm(x @ LW1.T + Lb1, g2_g, g2_b, 16))
    x = x @ LW2.T + Lb2
    return x

if __name__ == "__main__":
    import jax
    _d = setup_inputs()
    print(jax.jit(kernel)(*tuple(_d.values())))

</pallas_src>

<mosaic_0001>
#map = affine_map<(d0, d1) -> (0, 0, 0)>
#map1 = affine_map<(d0, d1) -> (0, 0)>
module attributes {stable_mosaic.version = 14 : i64} {
  func.func @_sc_body(%arg0: i32, %arg1: i32, %arg2: memref<256x4x16384xf32, #tpu.memory_space<hbm>>, %arg3: memref<4x16384xi32, #tpu.memory_space<hbm>>, %arg4: memref<4x256x16xf32, #tpu.memory_space<hbm>>, %arg5: memref<16384xi32, #tpu.memory_space<vmem>>, %arg6: memref<2x2x8192xf32, #tpu.memory_space<vmem>>, %arg7: memref<65536xf32, #tpu.memory_space<vmem>>, %arg8: memref<32x16xf32, #tpu.memory_space<vmem>>, %arg9: memref<!tpu.dma_semaphore, #tpu.memory_space<semaphore_mem>>, %arg10: memref<!tpu.dma_semaphore, #tpu.memory_space<semaphore_mem>>) attributes {dimension_semantics = [#tpu.dimension_semantics<core_parallel>, #tpu.dimension_semantics<subcore_parallel>], iteration_bounds = array<i64: 2, 16>, scalar_prefetch = 0 : i64, scratch_operands = 6 : i64, tpu.core_type = #tpu.core_type<sc_vector_subcore>, window_params = [{transform_indices = #map}, {transform_indices = #map1}, {transform_indices = #map}]} {
    %mul3A = arith.constant 2 : i32
    %mul3A_0 = arith.muli %arg1, %mul3A : i32
    %add3A = arith.addi %mul3A_0, %arg0 : i32
    %jit3A = arith.constant 8 : i32
    %div3A = arith.divsi %add3A, %jit3A : i32
    %sign3A = arith.constant 0 : i32
    %sign3A_1 = arith.cmpi sgt, %add3A, %sign3A : i32
    %sign3A_2 = arith.extui %sign3A_1 : i1 to i32
    %sign3A_3 = arith.constant 0 : i32
    %sign3A_4 = arith.cmpi slt, %add3A, %sign3A_3 : i32
    %sign3A_5 = arith.extui %sign3A_4 : i1 to i32
    %sign3A_6 = arith.subi %sign3A_2, %sign3A_5 : i32
    %sign3A_7 = arith.constant 0 : i32
    %sign3A_8 = arith.cmpi sgt, %jit3A, %sign3A_7 : i32
    %sign3A_9 = arith.extui %sign3A_8 : i1 to i32
    %sign3A_10 = arith.constant 0 : i32
    %sign3A_11 = arith.cmpi slt, %jit3A, %sign3A_10 : i32
    %sign3A_12 = arith.extui %sign3A_11 : i1 to i32
    %sign3A_13 = arith.subi %sign3A_9, %sign3A_12 : i32
    %ne3A = arith.cmpi ne, %sign3A_6, %sign3A_13 : i32
    %rem3A = arith.remsi %add3A, %jit3A : i32
    %ne3A_14 = arith.constant 0 : i32
    %ne3A_15 = arith.cmpi ne, %rem3A, %ne3A_14 : i32
    %and3A = arith.andi %ne3A, %ne3A_15 : i1
    %sub3A = arith.constant 1 : i32
    %sub3A_16 = arith.subi %div3A, %sub3A : i32
    %select_n3A = arith.select %and3A, %sub3A_16, %div3A : i32
    %jit3A_17 = arith.constant 8 : i32
    %eq3A = arith.constant 0 : i32
    %eq3A_18 = arith.cmpi eq, %jit3A_17, %eq3A : i32
    %jit3A_19 = arith.constant 1 : i32
    %select_n3A_20 = arith.select %eq3A_18, %jit3A_19, %jit3A_17 : i32
    %rem3A_21 = arith.remsi %add3A, %select_n3A_20 : i32
    %ne3A_22 = arith.constant 0 : i32
    %ne3A_23 = arith.cmpi ne, %rem3A_21, %ne3A_22 : i32
    %lt3A = arith.constant 0 : i32
    %lt3A_24 = arith.cmpi slt, %rem3A_21, %lt3A : i32
    %lt3A_25 = arith.constant 0 : i32
    %lt3A_26 = arith.cmpi slt, %select_n3A_20, %lt3A_25 : i32
    %ne3A_27 = arith.xori %lt3A_24, %lt3A_26 : i1
    %and3A_28 = arith.andi %ne3A_27, %ne3A_23 : i1
    %add3A_29 = arith.addi %rem3A_21, %select_n3A_20 : i32
    %select_n3A_30 = arith.select %and3A_28, %add3A_29, %rem3A_21 : i32
    %broadcast_in_dim3A = arith.constant 0.000000e+00 : f32
    %broadcast_in_dim3A_31 = vector.broadcast %broadcast_in_dim3A : f32 to vector<16xf32>
    %dma_start3A = arith.constant 0 : i32
    %dma_start3A_32 = tpu.memref_slice %arg3[%select_n3A, %dma_start3A] : memref<4x16384xi32, #tpu.memory_space<hbm>> -> memref<1x16384xi32, #tpu.memory_space<hbm>>
    %dma_start3A_33 = tpu.memref_squeeze %dma_start3A_32 : memref<1x16384xi32, #tpu.memory_space<hbm>> -> memref<16384xi32, #tpu.memory_space<hbm>>
    %dma_start3A_34 = arith.constant 0 : i32
    %dma_start3A_35 = tpu.memref_slice %arg3[%select_n3A, %dma_start3A_34] : memref<4x16384xi32, #tpu.memory_space<hbm>> -> memref<1x16384xi32, #tpu.memory_space<hbm>>
    %dma_start3A_36 = tpu.memref_squeeze %dma_start3A_35 : memref<1x16384xi32, #tpu.memory_space<hbm>> -> memref<16384xi32, #tpu.memory_space<hbm>>
    tpu.enqueue_dma source(%dma_start3A_36 : memref<16384xi32, #tpu.memory_space<hbm>>) target(%arg5 : memref<16384xi32, #tpu.memory_space<vmem>>) target_semaphore(%arg10 : memref<!tpu.dma_semaphore, #tpu.memory_space<semaphore_mem>>)
    %parallel_loop3A = arith.constant 0 : i32
    %parallel_loop3A_37 = arith.constant 4096 : i32
    %parallel_loop3A_38 = arith.constant 1 : i32
    scf.for %parallel_loop3A_68 = %parallel_loop3A to %parallel_loop3A_37 step %parallel_loop3A_38  : i32 {
      %parallel_loop3A_69 = arith.constant 16 : i32
      %parallel_loop3A_70 = arith.muli %parallel_loop3A_68, %parallel_loop3A_69 : i32
      %parallel_loop3A_71 = arith.index_cast %parallel_loop3A_70 : i32 to index
      %parallel_loop3A_72 = tpu.vector_load %arg7[%parallel_loop3A_71] {strides = array<i32>} : memref<65536xf32, #tpu.memory_space<vmem>>, vector<16xf32>,
      tpu.vector_store %arg7[%parallel_loop3A_71], %broadcast_in_dim3A_31 {strides = array<i32>} : memref<65536xf32, #tpu.memory_space<vmem>>, vector<16xf32>,
    } {sc.loop_unroll_factor = 8 : i64, sc.parallel_access}
    %dma_wait3A = arith.constant 0 : i32
    %dma_wait3A_39 = tpu.memref_slice %arg3[%select_n3A, %dma_wait3A] : memref<4x16384xi32, #tpu.memory_space<hbm>> -> memref<1x16384xi32, #tpu.memory_space<hbm>>
    %dma_wait3A_40 = tpu.memref_squeeze %dma_wait3A_39 : memref<1x16384xi32, #tpu.memory_space<hbm>> -> memref<16384xi32, #tpu.memory_space<hbm>>
    %dma_wait3A_41 = arith.constant 0 : i32
    %dma_wait3A_42 = tpu.memref_slice %arg3[%select_n3A, %dma_wait3A_41] : memref<4x16384xi32, #tpu.memory_space<hbm>> -> memref<1x16384xi32, #tpu.memory_space<hbm>>
    %dma_wait3A_43 = tpu.memref_squeeze %dma_wait3A_42 : memref<1x16384xi32, #tpu.memory_space<hbm>> -> memref<16384xi32, #tpu.memory_space<hbm>>
    tpu.wait_dma2 semaphore(%arg10 : memref<!tpu.dma_semaphore, #tpu.memory_space<semaphore_mem>>) src(%dma_wait3A_43 : memref<16384xi32, #tpu.memory_space<hbm>>) dst(%arg5 : memref<16384xi32, #tpu.memory_space<vmem>>)
    %mul3A_44 = arith.constant 32 : i32
    %mul3A_45 = arith.muli %select_n3A_30, %mul3A_44 : i32
    %dma_start3A_46 = arith.constant 0 : i32
    %dma_start3A_47 = arith.constant 0 : i32
    %dma_start3A_48 = arith.constant 0 : i32
    %dma_start3A_49 = tpu.memref_slice %arg6[%dma_start3A_46, %dma_start3A_47, %dma_start3A_48] : memref<2x2x8192xf32, #tpu.memory_space<vmem>> -> memref<1x2x8192xf32, #tpu.memory_space<vmem>>
    %dma_start3A_50 = tpu.memref_squeeze %dma_start3A_49 : memref<1x2x8192xf32, #tpu.memory_space<vmem>> -> memref<2x8192xf32, #tpu.memory_space<vmem>>
    %dma_start3A_51 = arith.constant 0 : i32
    %dma_start3A_52 = tpu.memref_slice %arg2[%mul3A_45, %select_n3A, %dma_start3A_51] : memref<256x4x16384xf32, #tpu.memory_space<hbm>> -> memref<2x1x8192xf32, #tpu.memory_space<hbm>>
    %dma_start3A_53 = tpu.memref_squeeze %dma_start3A_52 : memref<2x1x8192xf32, #tpu.memory_space<hbm>> -> memref<2x8192xf32, #tpu.memory_space<hbm>>
    %dma_start3A_54 = arith.constant 0 : i32
    %dma_start3A_55 = arith.constant 0 : i32
    %dma_start3A_56 = tpu.memref_slice %arg6[%dma_start3A_46, %dma_start3A_54, %dma_start3A_55] : memref<2x2x8192xf32, #tpu.memory_space<vmem>> -> memref<1x2x8192xf32, #tpu.memory_space<vmem>>
    %dma_start3A_57 = tpu.memref_squeeze %dma_start3A_56 : memref<1x2x8192xf32, #tpu.memory_space<vmem>> -> memref<2x8192xf32, #tpu.memory_space<vmem>>
    %dma_start3A_58 = arith.constant 0 : i32
    %dma_start3A_59 = tpu.memref_slice %arg2[%mul3A_45, %select_n3A, %dma_start3A_58] : memref<256x4x16384xf32, #tpu.memory_space<hbm>> -> memref<2x1x8192xf32, #tpu.memory_space<hbm>>
    %dma_start3A_60 = tpu.memref_squeeze %dma_start3A_59 : memref<2x1x8192xf32, #tpu.memory_space<hbm>> -> memref<2x8192xf32, #tpu.memory_space<hbm>>
    tpu.enqueue_dma source(%dma_start3A_60 : memref<2x8192xf32, #tpu.memory_space<hbm>>) target(%dma_start3A_57 : memref<2x8192xf32, #tpu.memory_space<vmem>>) target_semaphore(%arg9 : memref<!tpu.dma_semaphore, #tpu.memory_space<semaphore_mem>>)
    %scan3A = arith.constant 0 : i32
    %scan3A_61 = arith.constant 0 : i32
    %scan3A_62 = arith.constant 16 : i32
    %scan3A_63 = arith.addi %scan3A_61, %scan3A_62 : i32
    %scan3A_64 = arith.constant 1 : i32
    scf.for %scan3A_68 = %scan3A_61 to %scan3A_63 step %scan3A_64  : i32 {
      %mul3A_69 = arith.constant 32 : i32
      %mul3A_70 = arith.muli %select_n3A_30, %mul3A_69 : i32
      %mul3A_71 = arith.constant 2 : i32
      %mul3A_72 = arith.muli %scan3A_68, %mul3A_71 : i32
      %add3A_73 = arith.addi %mul3A_70, %mul3A_72 : i32
      %dma_wait3A_74 = arith.constant 0 : i32
      %dma_wait3A_75 = arith.constant 0 : i32
      %dma_wait3A_76 = arith.constant 0 : i32
      %dma_wait3A_77 = tpu.memref_slice %arg6[%dma_wait3A_74, %dma_wait3A_75, %dma_wait3A_76] : memref<2x2x8192xf32, #tpu.memory_space<vmem>> -> memref<1x2x8192xf32, #tpu.memory_space<vmem>>
      %dma_wait3A_78 = tpu.memref_squeeze %dma_wait3A_77 : memref<1x2x8192xf32, #tpu.memory_space<vmem>> -> memref<2x8192xf32, #tpu.memory_space<vmem>>
      %dma_wait3A_79 = arith.constant 0 : i32
      %dma_wait3A_80 = tpu.memref_slice %arg2[%add3A_73, %select_n3A, %dma_wait3A_79] : memref<256x4x16384xf32, #tpu.memory_space<hbm>> -> memref<2x1x8192xf32, #tpu.memory_space<hbm>>
      %dma_wait3A_81 = tpu.memref_squeeze %dma_wait3A_80 : memref<2x1x8192xf32, #tpu.memory_space<hbm>> -> memref<2x8192xf32, #tpu.memory_space<hbm>>
      %dma_wait3A_82 = arith.constant 0 : i32
      %dma_wait3A_83 = arith.constant 0 : i32
      %dma_wait3A_84 = tpu.memref_slice %arg6[%dma_wait3A_74, %dma_wait3A_82, %dma_wait3A_83] : memref<2x2x8192xf32, #tpu.memory_space<vmem>> -> memref<1x2x8192xf32, #tpu.memory_space<vmem>>
      %dma_wait3A_85 = tpu.memref_squeeze %dma_wait3A_84 : memref<1x2x8192xf32, #tpu.memory_space<vmem>> -> memref<2x8192xf32, #tpu.memory_space<vmem>>
      %dma_wait3A_86 = arith.constant 0 : i32
      %dma_wait3A_87 = tpu.memref_slice %arg2[%add3A_73, %select_n3A, %dma_wait3A_86] : memref<256x4x16384xf32, #tpu.memory_space<hbm>> -> memref<2x1x8192xf32, #tpu.memory_space<hbm>>
      %dma_wait3A_88 = tpu.memref_squeeze %dma_wait3A_87 : memref<2x1x8192xf32, #tpu.memory_space<hbm>> -> memref<2x8192xf32, #tpu.memory_space<hbm>>
      tpu.wait_dma2 semaphore(%arg9 : memref<!tpu.dma_semaphore, #tpu.memory_space<semaphore_mem>>) src(%dma_wait3A_88 : memref<2x8192xf32, #tpu.memory_space<hbm>>) dst(%dma_wait3A_85 : memref<2x8192xf32, #tpu.memory_space<vmem>>)
      %dma_start3A_89 = arith.constant 1 : i32
      %dma_start3A_90 = arith.constant 0 : i32
      %dma_start3A_91 = arith.constant 0 : i32
      %dma_start3A_92 = tpu.memref_slice %arg6[%dma_start3A_89, %dma_start3A_90, %dma_start3A_91] : memref<2x2x8192xf32, #tpu.memory_space<vmem>> -> memref<1x2x8192xf32, #tpu.memory_space<vmem>>
      %dma_start3A_93 = tpu.memref_squeeze %dma_start3A_92 : memref<1x2x8192xf32, #tpu.memory_space<vmem>> -> memref<2x8192xf32, #tpu.memory_space<vmem>>
      %dma_start3A_94 = arith.constant 8192 : i32
      %dma_start3A_95 = tpu.memref_slice %arg2[%add3A_73, %select_n3A, %dma_start3A_94] : memref<256x4x16384xf32, #tpu.memory_space<hbm>> -> memref<2x1x8192xf32, #tpu.memory_space<hbm>>
      %dma_start3A_96 = tpu.memref_squeeze %dma_start3A_95 : memref<2x1x8192xf32, #tpu.memory_space<hbm>> -> memref<2x8192xf32, #tpu.memory_space<hbm>>
      %dma_start3A_97 = arith.constant 0 : i32
      %dma_start3A_98 = arith.constant 0 : i32
      %dma_start3A_99 = tpu.memref_slice %arg6[%dma_start3A_89, %dma_start3A_97, %dma_start3A_98] : memref<2x2x8192xf32, #tpu.memory_space<vmem>> -> memref<1x2x8192xf32, #tpu.memory_space<vmem>>
      %dma_start3A_100 = tpu.memref_squeeze %dma_start3A_99 : memref<1x2x8192xf32, #tpu.memory_space<vmem>> -> memref<2x8192xf32, #tpu.memory_space<vmem>>
      %dma_start3A_101 = arith.constant 8192 : i32
      %dma_start3A_102 = tpu.memref_slice %arg2[%add3A_73, %select_n3A, %dma_start3A_101] : memref<256x4x16384xf32, #tpu.memory_space<hbm>> -> memref<2x1x8192xf32, #tpu.memory_space<hbm>>
      %dma_start3A_103 = tpu.memref_squeeze %dma_start3A_102 : memref<2x1x8192xf32, #tpu.memory_space<hbm>> -> memref<2x8192xf32, #tpu.memory_space<hbm>>
      tpu.enqueue_dma source(%dma_start3A_103 : memref<2x8192xf32, #tpu.memory_space<hbm>>) target(%dma_start3A_100 : memref<2x8192xf32, #tpu.memory_space<vmem>>) target_semaphore(%arg10 : memref<!tpu.dma_semaphore, #tpu.memory_space<semaphore_mem>>)
      %parallel_loop3A_104 = arith.constant 0 : i32
      %parallel_loop3A_105 = arith.constant 512 : i32
      %parallel_loop3A_106 = arith.constant 1 : i32
      scf.for %parallel_loop3A_162 = %parallel_loop3A_104 to %parallel_loop3A_105 step %parallel_loop3A_106  : i32 {
        %parallel_loop3A_163 = arith.constant 16 : i32
        %parallel_loop3A_164 = arith.muli %parallel_loop3A_162, %parallel_loop3A_163 : i32
        %parallel_loop3A_165 = arith.constant 0 : i32
        %parallel_loop3A_166 = arith.addi %parallel_loop3A_165, %parallel_loop3A_164 : i32
        %parallel_loop3A_167 = arith.index_cast %parallel_loop3A_166 : i32 to index
        %parallel_loop3A_168 = tpu.vector_load %arg5[%parallel_loop3A_167] {strides = array<i32>} : memref<16384xi32, #tpu.memory_space<vmem>>, vector<16xi32>,
        %parallel_loop3A_169 = arith.constant 16 : i32
        %parallel_loop3A_170 = arith.muli %parallel_loop3A_162, %parallel_loop3A_169 : i32
        %parallel_loop3A_171 = arith.constant 0 : i32
        %parallel_loop3A_172 = arith.constant 0 : i32
        %parallel_loop3A_173 = arith.index_cast %parallel_loop3A_171 : i32 to index
        %parallel_loop3A_174 = arith.index_cast %parallel_loop3A_172 : i32 to index
        %parallel_loop3A_175 = arith.index_cast %parallel_loop3A_170 : i32 to index
        %parallel_loop3A_176 = tpu.vector_load %arg6[%parallel_loop3A_173, %parallel_loop3A_174, %parallel_loop3A_175] {strides = array<i32>} : memref<2x2x8192xf32, #tpu.memory_space<vmem>>, vector<16xf32>,
        %parallel_loop3A_177 = arith.constant 0 : i32
        %parallel_loop3A_178 = vector.broadcast %parallel_loop3A_177 : i32 to vector<16xi32>
        %parallel_loop3A_179 = arith.addi %parallel_loop3A_168, %parallel_loop3A_178 : vector<16xi32>
        tpu.vector_store_idx %arg7[%parallel_loop3A_179], %parallel_loop3A_176 {add = true} : memref<65536xf32, #tpu.memory_space<vmem>>[vector<16xi32>], vector<16xf32>,
        %parallel_loop3A_180 = arith.constant 16 : i32
        %parallel_loop3A_181 = arith.muli %parallel_loop3A_162, %parallel_loop3A_180 : i32
        %parallel_loop3A_182 = arith.constant 0 : i32
        %parallel_loop3A_183 = arith.constant 1 : i32
        %parallel_loop3A_184 = arith.index_cast %parallel_loop3A_182 : i32 to index
        %parallel_loop3A_185 = arith.index_cast %parallel_loop3A_183 : i32 to index
        %parallel_loop3A_186 = arith.index_cast %parallel_loop3A_181 : i32 to index
        %parallel_loop3A_187 = tpu.vector_load %arg6[%parallel_loop3A_184, %parallel_loop3A_185, %parallel_loop3A_186] {strides = array<i32>} : memref<2x2x8192xf32, #tpu.memory_space<vmem>>, vector<16xf32>,
        %parallel_loop3A_188 = arith.constant 32768 : i32
        %parallel_loop3A_189 = vector.broadcast %parallel_loop3A_188 : i32 to vector<16xi32>
        %parallel_loop3A_190 = arith.addi %parallel_loop3A_168, %parallel_loop3A_189 : vector<16xi32>
        tpu.vector_store_idx %arg7[%parallel_loop3A_190], %parallel_loop3A_187 {add = true} : memref<65536xf32, #tpu.memory_space<vmem>>[vector<16xi32>], vector<16xf32>,
      } {sc.loop_unroll_factor = 8 : i64, sc.parallel_access}
      %dma_wait3A_107 = arith.constant 1 : i32
      %dma_wait3A_108 = arith.constant 0 : i32
      %dma_wait3A_109 = arith.constant 0 : i32
      %dma_wait3A_110 = tpu.memref_slice %arg6[%dma_wait3A_107, %dma_wait3A_108, %dma_wait3A_109] : memref<2x2x8192xf32, #tpu.memory_space<vmem>> -> memref<1x2x8192xf32, #tpu.memory_space<vmem>>
      %dma_wait3A_111 = tpu.memref_squeeze %dma_wait3A_110 : memref<1x2x8192xf32, #tpu.memory_space<vmem>> -> memref<2x8192xf32, #tpu.memory_space<vmem>>
      %dma_wait3A_112 = arith.constant 8192 : i32
      %dma_wait3A_113 = tpu.memref_slice %arg2[%add3A_73, %select_n3A, %dma_wait3A_112] : memref<256x4x16384xf32, #tpu.memory_space<hbm>> -> memref<2x1x8192xf32, #tpu.memory_space<hbm>>
      %dma_wait3A_114 = tpu.memref_squeeze %dma_wait3A_113 : memref<2x1x8192xf32, #tpu.memory_space<hbm>> -> memref<2x8192xf32, #tpu.memory_space<hbm>>
      %dma_wait3A_115 = arith.constant 0 : i32
      %dma_wait3A_116 = arith.constant 0 : i32
      %dma_wait3A_117 = tpu.memref_slice %arg6[%dma_wait3A_107, %dma_wait3A_115, %dma_wait3A_116] : memref<2x2x8192xf32, #tpu.memory_space<vmem>> -> memref<1x2x8192xf32, #tpu.memory_space<vmem>>
      %dma_wait3A_118 = tpu.memref_squeeze %dma_wait3A_117 : memref<1x2x8192xf32, #tpu.memory_space<vmem>> -> memref<2x8192xf32, #tpu.memory_space<vmem>>
      %dma_wait3A_119 = arith.constant 8192 : i32
      %dma_wait3A_120 = tpu.memref_slice %arg2[%add3A_73, %select_n3A, %dma_wait3A_119] : memref<256x4x16384xf32, #tpu.memory_space<hbm>> -> memref<2x1x8192xf32, #tpu.memory_space<hbm>>
      %dma_wait3A_121 = tpu.memref_squeeze %dma_wait3A_120 : memref<2x1x8192xf32, #tpu.memory_space<hbm>> -> memref<2x8192xf32, #tpu.memory_space<hbm>>
      tpu.wait_dma2 semaphore(%arg10 : memref<!tpu.dma_semaphore, #tpu.memory_space<semaphore_mem>>) src(%dma_wait3A_121 : memref<2x8192xf32, #tpu.memory_space<hbm>>) dst(%dma_wait3A_118 : memref<2x8192xf32, #tpu.memory_space<vmem>>)
      %add3A_122 = arith.constant 1 : i32
      %add3A_123 = arith.addi %scan3A_68, %add3A_122 : i32
      %lt3A_124 = arith.constant 16 : i32
      %lt3A_125 = arith.cmpi slt, %add3A_123, %lt3A_124 : i32
      %convert_element_type3A = arith.extui %lt3A_125 : i1 to i32
      %cond3A = arith.constant 0 : i32
      %cond3A_126 = arith.cmpi ne, %convert_element_type3A, %cond3A : i32
      scf.if %cond3A_126 {
        %add3A_162 = arith.constant 2 : i32
        %add3A_163 = arith.addi %add3A_73, %add3A_162 : i32
        %dma_start3A_164 = arith.constant 0 : i32
        %dma_start3A_165 = arith.constant 0 : i32
        %dma_start3A_166 = arith.constant 0 : i32
        %dma_start3A_167 = tpu.memref_slice %arg6[%dma_start3A_164, %dma_start3A_165, %dma_start3A_166] : memref<2x2x8192xf32, #tpu.memory_space<vmem>> -> memref<1x2x8192xf32, #tpu.memory_space<vmem>>
        %dma_start3A_168 = tpu.memref_squeeze %dma_start3A_167 : memref<1x2x8192xf32, #tpu.memory_space<vmem>> -> memref<2x8192xf32, #tpu.memory_space<vmem>>
        %dma_start3A_169 = arith.constant 0 : i32
        %dma_start3A_170 = tpu.memref_slice %arg2[%add3A_163, %select_n3A, %dma_start3A_169] : memref<256x4x16384xf32, #tpu.memory_space<hbm>> -> memref<2x1x8192xf32, #tpu.memory_space<hbm>>
        %dma_start3A_171 = tpu.memref_squeeze %dma_start3A_170 : memref<2x1x8192xf32, #tpu.memory_space<hbm>> -> memref<2x8192xf32, #tpu.memory_space<hbm>>
        %dma_start3A_172 = arith.constant 0 : i32
        %dma_start3A_173 = arith.constant 0 : i32
        %dma_start3A_174 = tpu.memref_slice %arg6[%dma_start3A_164, %dma_start3A_172, %dma_start3A_173] : memref<2x2x8192xf32, #tpu.memory_space<vmem>> -> memref<1x2x8192xf32, #tpu.memory_space<vmem>>
        %dma_start3A_175 = tpu.memref_squeeze %dma_start3A_174 : memref<1x2x8192xf32, #tpu.memory_space<vmem>> -> memref<2x8192xf32, #tpu.memory_space<vmem>>
        %dma_start3A_176 = arith.constant 0 : i32
        %dma_start3A_177 = tpu.memref_slice %arg2[%add3A_163, %select_n3A, %dma_start3A_176] : memref<256x4x16384xf32, #tpu.memory_space<hbm>> -> memref<2x1x8192xf32, #tpu.memory_space<hbm>>
        %dma_start3A_178 = tpu.memref_squeeze %dma_start3A_177 : memref<2x1x8192xf32, #tpu.memory_space<hbm>> -> memref<2x8192xf32, #tpu.memory_space<hbm>>
        tpu.enqueue_dma source(%dma_start3A_178 : memref<2x8192xf32, #tpu.memory_space<hbm>>) target(%dma_start3A_175 : memref<2x8192xf32, #tpu.memory_space<vmem>>) target_semaphore(%arg9 : memref<!tpu.dma_semaphore, #tpu.memory_space<semaphore_mem>>)
      } else {
      }
      %parallel_loop3A_127 = arith.constant 0 : i32
      %parallel_loop3A_128 = arith.constant 512 : i32
      %parallel_loop3A_129 = arith.constant 1 : i32
      scf.for %parallel_loop3A_162 = %parallel_loop3A_127 to %parallel_loop3A_128 step %parallel_loop3A_129  : i32 {
        %parallel_loop3A_163 = arith.constant 16 : i32
        %parallel_loop3A_164 = arith.muli %parallel_loop3A_162, %parallel_loop3A_163 : i32
        %parallel_loop3A_165 = arith.constant 8192 : i32
        %parallel_loop3A_166 = arith.addi %parallel_loop3A_165, %parallel_loop3A_164 : i32
        %parallel_loop3A_167 = arith.index_cast %parallel_loop3A_166 : i32 to index
        %parallel_loop3A_168 = tpu.vector_load %arg5[%parallel_loop3A_167] {strides = array<i32>} : memref<16384xi32, #tpu.memory_space<vmem>>, vector<16xi32>,
        %parallel_loop3A_169 = arith.constant 16 : i32
        %parallel_loop3A_170 = arith.muli %parallel_loop3A_162, %parallel_loop3A_169 : i32
        %parallel_loop3A_171 = arith.constant 1 : i32
        %parallel_loop3A_172 = arith.constant 0 : i32
        %parallel_loop3A_173 = arith.index_cast %parallel_loop3A_171 : i32 to index
        %parallel_loop3A_174 = arith.index_cast %parallel_loop3A_172 : i32 to index
        %parallel_loop3A_175 = arith.index_cast %parallel_loop3A_170 : i32 to index
        %parallel_loop3A_176 = tpu.vector_load %arg6[%parallel_loop3A_173, %parallel_loop3A_174, %parallel_loop3A_175] {strides = array<i32>} : memref<2x2x8192xf32, #tpu.memory_space<vmem>>, vector<16xf32>,
        %parallel_loop3A_177 = arith.constant 0 : i32
        %parallel_loop3A_178 = vector.broadcast %parallel_loop3A_177 : i32 to vector<16xi32>
        %parallel_loop3A_179 = arith.addi %parallel_loop3A_168, %parallel_loop3A_178 : vector<16xi32>
        tpu.vector_store_idx %arg7[%parallel_loop3A_179], %parallel_loop3A_176 {add = true} : memref<65536xf32, #tpu.memory_space<vmem>>[vector<16xi32>], vector<16xf32>,
        %parallel_loop3A_180 = arith.constant 16 : i32
        %parallel_loop3A_181 = arith.muli %parallel_loop3A_162, %parallel_loop3A_180 : i32
        %parallel_loop3A_182 = arith.constant 1 : i32
        %parallel_loop3A_183 = arith.constant 1 : i32
        %parallel_loop3A_184 = arith.index_cast %parallel_loop3A_182 : i32 to index
        %parallel_loop3A_185 = arith.index_cast %parallel_loop3A_183 : i32 to index
        %parallel_loop3A_186 = arith.index_cast %parallel_loop3A_181 : i32 to index
        %parallel_loop3A_187 = tpu.vector_load %arg6[%parallel_loop3A_184, %parallel_loop3A_185, %parallel_loop3A_186] {strides = array<i32>} : memref<2x2x8192xf32, #tpu.memory_space<vmem>>, vector<16xf32>,
        %parallel_loop3A_188 = arith.constant 32768 : i32
        %parallel_loop3A_189 = vector.broadcast %parallel_loop3A_188 : i32 to vector<16xi32>
        %parallel_loop3A_190 = arith.addi %parallel_loop3A_168, %parallel_loop3A_189 : vector<16xi32>
        tpu.vector_store_idx %arg7[%parallel_loop3A_190], %parallel_loop3A_187 {add = true} : memref<65536xf32, #tpu.memory_space<vmem>>[vector<16xi32>], vector<16xf32>,
      } {sc.loop_unroll_factor = 8 : i64, sc.parallel_access}
      %parallel_loop3A_130 = arith.constant 0 : i32
      %parallel_loop3A_131 = arith.constant 512 : i32
      %parallel_loop3A_132 = arith.constant 1 : i32
      %parallel_loop3A_133:4 = scf.for %parallel_loop3A_162 = %parallel_loop3A_130 to %parallel_loop3A_131 step %parallel_loop3A_132 iter_args(%parallel_loop3A_163 = %broadcast_in_dim3A_31, %parallel_loop3A_164 = %broadcast_in_dim3A_31, %parallel_loop3A_165 = %broadcast_in_dim3A_31, %parallel_loop3A_166 = %broadcast_in_dim3A_31) -> (vector<16xf32>, vector<16xf32>, vector<16xf32>, vector<16xf32>)  : i32 {
        %parallel_loop3A_167 = arith.constant 64 : i32
        %parallel_loop3A_168 = arith.muli %parallel_loop3A_162, %parallel_loop3A_167 : i32
        %parallel_loop3A_169 = arith.constant 0 : i32
        %parallel_loop3A_170 = arith.addi %parallel_loop3A_169, %parallel_loop3A_168 : i32
        %parallel_loop3A_171 = arith.constant 0 : i32
        %parallel_loop3A_172 = arith.addi %parallel_loop3A_170, %parallel_loop3A_171 : i32
        %parallel_loop3A_173 = arith.index_cast %parallel_loop3A_172 : i32 to index
        %parallel_loop3A_174 = tpu.vector_load %arg7[%parallel_loop3A_173] {strides = array<i32>} : memref<65536xf32, #tpu.memory_space<vmem>>, vector<16xf32>,
        %parallel_loop3A_175 = arith.maximumf %parallel_loop3A_163, %parallel_loop3A_174 : vector<16xf32>
        %parallel_loop3A_176 = arith.constant 16 : i32
        %parallel_loop3A_177 = arith.addi %parallel_loop3A_170, %parallel_loop3A_176 : i32
        %parallel_loop3A_178 = arith.index_cast %parallel_loop3A_177 : i32 to index
        %parallel_loop3A_179 = tpu.vector_load %arg7[%parallel_loop3A_178] {strides = array<i32>} : memref<65536xf32, #tpu.memory_space<vmem>>, vector<16xf32>,
        %parallel_loop3A_180 = arith.maximumf %parallel_loop3A_164, %parallel_loop3A_179 : vector<16xf32>
        %parallel_loop3A_181 = arith.constant 32 : i32
        %parallel_loop3A_182 = arith.addi %parallel_loop3A_170, %parallel_loop3A_181 : i32
        %parallel_loop3A_183 = arith.index_cast %parallel_loop3A_182 : i32 to index
        %parallel_loop3A_184 = tpu.vector_load %arg7[%parallel_loop3A_183] {strides = array<i32>} : memref<65536xf32, #tpu.memory_space<vmem>>, vector<16xf32>,
        %parallel_loop3A_185 = arith.maximumf %parallel_loop3A_165, %parallel_loop3A_184 : vector<16xf32>
        %parallel_loop3A_186 = arith.constant 48 : i32
        %parallel_loop3A_187 = arith.addi %parallel_loop3A_170, %parallel_loop3A_186 : i32
        %parallel_loop3A_188 = arith.index_cast %parallel_loop3A_187 : i32 to index
        %parallel_loop3A_189 = tpu.vector_load %arg7[%parallel_loop3A_188] {strides = array<i32>} : memref<65536xf32, #tpu.memory_space<vmem>>, vector<16xf32>,
        %parallel_loop3A_190 = arith.maximumf %parallel_loop3A_166, %parallel_loop3A_189 : vector<16xf32>
        scf.yield %parallel_loop3A_175, %parallel_loop3A_180, %parallel_loop3A_185, %parallel_loop3A_190 : vector<16xf32>, vector<16xf32>, vector<16xf32>, vector<16xf32>
      } {sc.loop_unroll_factor = 4 : i64, sc.parallel_access}
      %parallel_loop3A_134 = arith.constant 0 : i32
      %parallel_loop3A_135 = arith.constant 2048 : i32
      %parallel_loop3A_136 = arith.constant 1 : i32
      scf.for %parallel_loop3A_162 = %parallel_loop3A_134 to %parallel_loop3A_135 step %parallel_loop3A_136  : i32 {
        %parallel_loop3A_163 = arith.constant 16 : i32
        %parallel_loop3A_164 = arith.muli %parallel_loop3A_162, %parallel_loop3A_163 : i32
        %parallel_loop3A_165 = arith.constant 0 : i32
        %parallel_loop3A_166 = arith.addi %parallel_loop3A_165, %parallel_loop3A_164 : i32
        %parallel_loop3A_167 = arith.index_cast %parallel_loop3A_166 : i32 to index
        %parallel_loop3A_168 = tpu.vector_load %arg7[%parallel_loop3A_167] {strides = array<i32>} : memref<65536xf32, #tpu.memory_space<vmem>>, vector<16xf32>,
        tpu.vector_store %arg7[%parallel_loop3A_167], %broadcast_in_dim3A_31 {strides = array<i32>} : memref<65536xf32, #tpu.memory_space<vmem>>, vector<16xf32>,
      } {sc.loop_unroll_factor = 8 : i64, sc.parallel_access}
      %max3A = arith.maximumf %parallel_loop3A_133#0, %parallel_loop3A_133#1 : vector<16xf32>
      %max3A_137 = arith.maximumf %parallel_loop3A_133#2, %parallel_loop3A_133#3 : vector<16xf32>
      %max3A_138 = arith.maximumf %max3A, %max3A_137 : vector<16xf32>
      %mul3A_139 = arith.constant 2 : i32
      %mul3A_140 = arith.muli %scan3A_68, %mul3A_139 : i32
      %add3A_141 = arith.constant 0 : i32
      %add3A_142 = arith.addi %mul3A_140, %add3A_141 : i32
      %swap3A = arith.index_cast %add3A_142 : i32 to index
      %swap3A_143 = arith.constant 0 : index
      %swap3A_144 = tpu.vector_load %arg8[%swap3A, %swap3A_143] {strides = array<i32>} : memref<32x16xf32, #tpu.memory_space<vmem>>, vector<16xf32>,
      tpu.vector_store %arg8[%swap3A, %swap3A_143], %max3A_138 {strides = array<i32>} : memref<32x16xf32, #tpu.memory_space<vmem>>, vector<16xf32>,
      %parallel_loop3A_145 = arith.constant 0 : i32
      %parallel_loop3A_146 = arith.constant 512 : i32
      %parallel_loop3A_147 = arith.constant 1 : i32
      %parallel_loop3A_148:4 = scf.for %parallel_loop3A_162 = %parallel_loop3A_145 to %parallel_loop3A_146 step %parallel_loop3A_147 iter_args(%parallel_loop3A_163 = %broadcast_in_dim3A_31, %parallel_loop3A_164 = %broadcast_in_dim3A_31, %parallel_loop3A_165 = %broadcast_in_dim3A_31, %parallel_loop3A_166 = %broadcast_in_dim3A_31) -> (vector<16xf32>, vector<16xf32>, vector<16xf32>, vector<16xf32>)  : i32 {
        %parallel_loop3A_167 = arith.constant 64 : i32
        %parallel_loop3A_168 = arith.muli %parallel_loop3A_162, %parallel_loop3A_167 : i32
        %parallel_loop3A_169 = arith.constant 32768 : i32
        %parallel_loop3A_170 = arith.addi %parallel_loop3A_169, %parallel_loop3A_168 : i32
        %parallel_loop3A_171 = arith.constant 0 : i32
        %parallel_loop3A_172 = arith.addi %parallel_loop3A_170, %parallel_loop3A_171 : i32
        %parallel_loop3A_173 = arith.index_cast %parallel_loop3A_172 : i32 to index
        %parallel_loop3A_174 = tpu.vector_load %arg7[%parallel_loop3A_173] {strides = array<i32>} : memref<65536xf32, #tpu.memory_space<vmem>>, vector<16xf32>,
        %parallel_loop3A_175 = arith.maximumf %parallel_loop3A_163, %parallel_loop3A_174 : vector<16xf32>
        %parallel_loop3A_176 = arith.constant 16 : i32
        %parallel_loop3A_177 = arith.addi %parallel_loop3A_170, %parallel_loop3A_176 : i32
        %parallel_loop3A_178 = arith.index_cast %parallel_loop3A_177 : i32 to index
        %parallel_loop3A_179 = tpu.vector_load %arg7[%parallel_loop3A_178] {strides = array<i32>} : memref<65536xf32, #tpu.memory_space<vmem>>, vector<16xf32>,
        %parallel_loop3A_180 = arith.maximumf %parallel_loop3A_164, %parallel_loop3A_179 : vector<16xf32>
        %parallel_loop3A_181 = arith.constant 32 : i32
        %parallel_loop3A_182 = arith.addi %parallel_loop3A_170, %parallel_loop3A_181 : i32
        %parallel_loop3A_183 = arith.index_cast %parallel_loop3A_182 : i32 to index
        %parallel_loop3A_184 = tpu.vector_load %arg7[%parallel_loop3A_183] {strides = array<i32>} : memref<65536xf32, #tpu.memory_space<vmem>>, vector<16xf32>,
        %parallel_loop3A_185 = arith.maximumf %parallel_loop3A_165, %parallel_loop3A_184 : vector<16xf32>
        %parallel_loop3A_186 = arith.constant 48 : i32
        %parallel_loop3A_187 = arith.addi %parallel_loop3A_170, %parallel_loop3A_186 : i32
        %parallel_loop3A_188 = arith.index_cast %parallel_loop3A_187 : i32 to index
        %parallel_loop3A_189 = tpu.vector_load %arg7[%parallel_loop3A_188] {strides = array<i32>} : memref<65536xf32, #tpu.memory_space<vmem>>, vector<16xf32>,
        %parallel_loop3A_190 = arith.maximumf %parallel_loop3A_166, %parallel_loop3A_189 : vector<16xf32>
        scf.yield %parallel_loop3A_175, %parallel_loop3A_180, %parallel_loop3A_185, %parallel_loop3A_190 : vector<16xf32>, vector<16xf32>, vector<16xf32>, vector<16xf32>
      } {sc.loop_unroll_factor = 4 : i64, sc.parallel_access}
      %parallel_loop3A_149 = arith.constant 0 : i32
      %parallel_loop3A_150 = arith.constant 2048 : i32
      %parallel_loop3A_151 = arith.constant 1 : i32
      scf.for %parallel_loop3A_162 = %parallel_loop3A_149 to %parallel_loop3A_150 step %parallel_loop3A_151  : i32 {
        %parallel_loop3A_163 = arith.constant 16 : i32
        %parallel_loop3A_164 = arith.muli %parallel_loop3A_162, %parallel_loop3A_163 : i32
        %parallel_loop3A_165 = arith.constant 32768 : i32
        %parallel_loop3A_166 = arith.addi %parallel_loop3A_165, %parallel_loop3A_164 : i32
        %parallel_loop3A_167 = arith.index_cast %parallel_loop3A_166 : i32 to index
        %parallel_loop3A_168 = tpu.vector_load %arg7[%parallel_loop3A_167] {strides = array<i32>} : memref<65536xf32, #tpu.memory_space<vmem>>, vector<16xf32>,
        tpu.vector_store %arg7[%parallel_loop3A_167], %broadcast_in_dim3A_31 {strides = array<i32>} : memref<65536xf32, #tpu.memory_space<vmem>>, vector<16xf32>,
      } {sc.loop_unroll_factor = 8 : i64, sc.parallel_access}
      %max3A_152 = arith.maximumf %parallel_loop3A_148#0, %parallel_loop3A_148#1 : vector<16xf32>
      %max3A_153 = arith.maximumf %parallel_loop3A_148#2, %parallel_loop3A_148#3 : vector<16xf32>
      %max3A_154 = arith.maximumf %max3A_152, %max3A_153 : vector<16xf32>
      %mul3A_155 = arith.constant 2 : i32
      %mul3A_156 = arith.muli %scan3A_68, %mul3A_155 : i32
      %add3A_157 = arith.constant 1 : i32
      %add3A_158 = arith.addi %mul3A_156, %add3A_157 : i32
      %swap3A_159 = arith.index_cast %add3A_158 : i32 to index
      %swap3A_160 = arith.constant 0 : index
      %swap3A_161 = tpu.vector_load %arg8[%swap3A_159, %swap3A_160] {strides = array<i32>} : memref<32x16xf32, #tpu.memory_space<vmem>>, vector<16xf32>,
      tpu.vector_store %arg8[%swap3A_159, %swap3A_160], %max3A_154 {strides = array<i32>} : memref<32x16xf32, #tpu.memory_space<vmem>>, vector<16xf32>,
    }
    %scan3A_65 = arith.constant 16 : i32
    %mul3A_66 = arith.constant 32 : i32
    %mul3A_67 = arith.muli %select_n3A_30, %mul3A_66 : i32
    "tpu.region"() ({
      %run_scoped3A = tpu.sem_alloc : memref<!tpu.dma_semaphore, #tpu.memory_space<semaphore_mem>>
      %dma_start3A_68 = arith.constant 0 : i32
      %dma_start3A_69 = tpu.memref_slice %arg4[%select_n3A, %mul3A_67, %dma_start3A_68] : memref<4x256x16xf32, #tpu.memory_space<hbm>> -> memref<1x32x16xf32, #tpu.memory_space<hbm>>
      %dma_start3A_70 = tpu.memref_squeeze %dma_start3A_69 : memref<1x32x16xf32, #tpu.memory_space<hbm>> -> memref<32x16xf32, #tpu.memory_space<hbm>>
      %dma_start3A_71 = arith.constant 0 : i32
      %dma_start3A_72 = tpu.memref_slice %arg4[%select_n3A, %mul3A_67, %dma_start3A_71] : memref<4x256x16xf32, #tpu.memory_space<hbm>> -> memref<1x32x16xf32, #tpu.memory_space<hbm>>
      %dma_start3A_73 = tpu.memref_squeeze %dma_start3A_72 : memref<1x32x16xf32, #tpu.memory_space<hbm>> -> memref<32x16xf32, #tpu.memory_space<hbm>>
      tpu.enqueue_dma source(%arg8 : memref<32x16xf32, #tpu.memory_space<vmem>>) target(%dma_start3A_73 : memref<32x16xf32, #tpu.memory_space<hbm>>) target_semaphore(%run_scoped3A : memref<!tpu.dma_semaphore, #tpu.memory_space<semaphore_mem>>)
      %dma_wait3A_74 = arith.constant 0 : i32
      %dma_wait3A_75 = tpu.memref_slice %arg4[%select_n3A, %mul3A_67, %dma_wait3A_74] : memref<4x256x16xf32, #tpu.memory_space<hbm>> -> memref<1x32x16xf32, #tpu.memory_space<hbm>>
      %dma_wait3A_76 = tpu.memref_squeeze %dma_wait3A_75 : memref<1x32x16xf32, #tpu.memory_space<hbm>> -> memref<32x16xf32, #tpu.memory_space<hbm>>
      %dma_wait3A_77 = arith.constant 0 : i32
      %dma_wait3A_78 = tpu.memref_slice %arg4[%select_n3A, %mul3A_67, %dma_wait3A_77] : memref<4x256x16xf32, #tpu.memory_space<hbm>> -> memref<1x32x16xf32, #tpu.memory_space<hbm>>
      %dma_wait3A_79 = tpu.memref_squeeze %dma_wait3A_78 : memref<1x32x16xf32, #tpu.memory_space<hbm>> -> memref<32x16xf32, #tpu.memory_space<hbm>>
      tpu.wait_dma2 semaphore(%run_scoped3A : memref<!tpu.dma_semaphore, #tpu.memory_space<semaphore_mem>>) src(%arg8 : memref<32x16xf32, #tpu.memory_space<vmem>>) dst(%dma_wait3A_79 : memref<32x16xf32, #tpu.memory_space<hbm>>)
      tpu.yield
    }) : () -> ()
    return
  }
}

module attributes {stable_mosaic.version = 14 : i64} {
  func.func @_mlp_body(%arg0: i32, %arg1: memref<4x2048xf32, #tpu.memory_space<vmem>>, %arg2: memref<64x4xf32, #tpu.memory_space<vmem>>, %arg3: memref<64x1xf32, #tpu.memory_space<vmem>>, %arg4: memref<128x64xf32, #tpu.memory_space<vmem>>, %arg5: memref<128x1xf32, #tpu.memory_space<vmem>>, %arg6: memref<256x128xf32, #tpu.memory_space<vmem>>, %arg7: memref<256x1xf32, #tpu.memory_space<vmem>>, %arg8: memref<256x2048xf32, #tpu.memory_space<vmem>>, %arg9: memref<1x1x2048xi32, #tpu.memory_space<vmem>>) attributes {dimension_semantics = [#tpu.dimension_semantics<arbitrary>], iteration_bounds = array<i64: 32>, scalar_prefetch = 0 : i64, scratch_operands = 0 : i64, tpu.core_type = #tpu.core_type<tc>, window_params = [{transform_indices = @transform_0, window_bounds = array<i64: 4, 2048>}, {pipeline_mode = #tpu.pipeline_mode<synchronous>, transform_indices = @transform_1, window_bounds = array<i64: 64, 4>}, {pipeline_mode = #tpu.pipeline_mode<synchronous>, transform_indices = @transform_2, window_bounds = array<i64: 64, 1>}, {pipeline_mode = #tpu.pipeline_mode<synchronous>, transform_indices = @transform_3, window_bounds = array<i64: 128, 64>}, {pipeline_mode = #tpu.pipeline_mode<synchronous>, transform_indices = @transform_4, window_bounds = array<i64: 128, 1>}, {pipeline_mode = #tpu.pipeline_mode<synchronous>, transform_indices = @transform_5, window_bounds = array<i64: 256, 128>}, {pipeline_mode = #tpu.pipeline_mode<synchronous>, transform_indices = @transform_6, window_bounds = array<i64: 256, 1>}, {transform_indices = @transform_7, window_bounds = array<i64: 256, 2048>}, {transform_indices = @transform_8, window_bounds = array<i64: 1, 1, 2048>}]} {
    %get3A = arith.constant 0 : index
    %get3A_0 = arith.constant 0 : index
    %get3A_1 = vector.load %arg1[%get3A, %get3A_0] : memref<4x2048xf32, #tpu.memory_space<vmem>>, vector<4x2048xf32>
    %get3A_2 = arith.constant 0 : index
    %get3A_3 = arith.constant 0 : index
    %get3A_4 = vector.load %arg2[%get3A_2, %get3A_3] : memref<64x4xf32, #tpu.memory_space<vmem>>, vector<64x4xf32>
    %dot_general3A = arith.constant dense<0.000000e+00> : vector<64x2048xf32>
    %dot_general3A_5 = tpu.matmul %get3A_4, %get3A_1, %dot_general3A {dimension_numbers = #tpu.dot_dimension_numbers<[1], [0], [0], [1], [0, 0, 1, 1], [], []>, transpose_lhs_hint = false} : vector<64x4xf32>, vector<4x2048xf32>, vector<64x2048xf32> -> vector<64x2048xf32>
    %get3A_6 = arith.constant 0 : index
    %get3A_7 = arith.constant 0 : index
    %get3A_8 = vector.load %arg3[%get3A_6, %get3A_7] : memref<64x1xf32, #tpu.memory_space<vmem>>, vector<64x1xf32>
    %add3A = vector.broadcast %get3A_8 : vector<64x1xf32> to vector<64x2048xf32>
    %add3A_9 = arith.addf %dot_general3A_5, %add3A : vector<64x2048xf32>
    %max3A = arith.constant 0.000000e+00 : f32
    %max3A_10 = vector.broadcast %max3A : f32 to vector<64x2048xf32>
    %max3A_11 = arith.maximumf %add3A_9, %max3A_10 : vector<64x2048xf32>
    %get3A_12 = arith.constant 0 : index
    %get3A_13 = arith.constant 0 : index
    %get3A_14 = vector.load %arg4[%get3A_12, %get3A_13] : memref<128x64xf32, #tpu.memory_space<vmem>>, vector<128x64xf32>
    %dot_general3A_15 = arith.constant dense<0.000000e+00> : vector<128x2048xf32>
    %dot_general3A_16 = tpu.matmul %get3A_14, %max3A_11, %dot_general3A_15 {dimension_numbers = #tpu.dot_dimension_numbers<[1], [0], [0], [1], [0, 0, 1, 1], [], []>, transpose_lhs_hint = false} : vector<128x64xf32>, vector<64x2048xf32>, vector<128x2048xf32> -> vector<128x2048xf32>
    %get3A_17 = arith.constant 0 : index
    %get3A_18 = arith.constant 0 : index
    %get3A_19 = vector.load %arg5[%get3A_17, %get3A_18] : memref<128x1xf32, #tpu.memory_space<vmem>>, vector<128x1xf32>
    %add3A_20 = vector.broadcast %get3A_19 : vector<128x1xf32> to vector<128x2048xf32>
    %add3A_21 = arith.addf %dot_general3A_16, %add3A_20 : vector<128x2048xf32>
    %max3A_22 = arith.constant 0.000000e+00 : f32
    %max3A_23 = vector.broadcast %max3A_22 : f32 to vector<128x2048xf32>
    %max3A_24 = arith.maximumf %add3A_21, %max3A_23 : vector<128x2048xf32>
    %get3A_25 = arith.constant 0 : index
    %get3A_26 = arith.constant 0 : index
    %get3A_27 = vector.load %arg6[%get3A_25, %get3A_26] : memref<256x128xf32, #tpu.memory_space<vmem>>, vector<256x128xf32>
    %dot_general3A_28 = arith.constant dense<0.000000e+00> : vector<256x2048xf32>
    %dot_general3A_29 = tpu.matmul %get3A_27, %max3A_24, %dot_general3A_28 {dimension_numbers = #tpu.dot_dimension_numbers<[1], [0], [0], [1], [0, 0, 1, 1], [], []>, transpose_lhs_hint = false} : vector<256x128xf32>, vector<128x2048xf32>, vector<256x2048xf32> -> vector<256x2048xf32>
    %get3A_30 = arith.constant 0 : index
    %get3A_31 = arith.constant 0 : index
    %get3A_32 = vector.load %arg7[%get3A_30, %get3A_31] : memref<256x1xf32, #tpu.memory_space<vmem>>, vector<256x1xf32>
    %add3A_33 = vector.broadcast %get3A_32 : vector<256x1xf32> to vector<256x2048xf32>
    %add3A_34 = arith.addf %dot_general3A_29, %add3A_33 : vector<256x2048xf32>
    %max3A_35 = arith.constant 0.000000e+00 : f32
    %max3A_36 = vector.broadcast %max3A_35 : f32 to vector<256x2048xf32>
    %max3A_37 = arith.maximumf %add3A_34, %max3A_36 : vector<256x2048xf32>
    %swap3A = arith.constant 0 : index
    %swap3A_38 = arith.constant 0 : index
    %swap3A_39 = vector.load %arg8[%swap3A, %swap3A_38] : memref<256x2048xf32, #tpu.memory_space<vmem>>, vector<256x2048xf32>
    tpu.vector_store %arg8[%swap3A, %swap3A_38], %max3A_37 {strides = array<i32>} : memref<256x2048xf32, #tpu.memory_space<vmem>>, vector<256x2048xf32>,
    %mul3A = arith.constant 3.200000e+01 : f32
    %mul3A_40 = vector.broadcast %mul3A : f32 to vector<4x2048xf32>
    %mul3A_41 = arith.mulf %get3A_1, %mul3A_40 : vector<4x2048xf32>
    %floor3A = math.floor %mul3A_41 : vector<4x2048xf32>
    %convert_element_type3A = arith.fptosi %floor3A : vector<4x2048xf32> to vector<4x2048xi32>
    %slice3A = vector.extract_strided_slice %convert_element_type3A {offsets = [0, 0], sizes = [1, 2048], strides = [1, 1]} : vector<4x2048xi32> to vector<1x2048xi32>
    %mul3A_42 = arith.constant 1024 : i32
    %mul3A_43 = vector.broadcast %mul3A_42 : i32 to vector<1x2048xi32>
    %mul3A_44 = arith.muli %slice3A, %mul3A_43 : vector<1x2048xi32>
    %slice3A_45 = vector.extract_strided_slice %convert_element_type3A {offsets = [1, 0], sizes = [1, 2048], strides = [1, 1]} : vector<4x2048xi32> to vector<1x2048xi32>
    %mul3A_46 = arith.constant 32 : i32
    %mul3A_47 = vector.broadcast %mul3A_46 : i32 to vector<1x2048xi32>
    %mul3A_48 = arith.muli %slice3A_45, %mul3A_47 : vector<1x2048xi32>
    %add3A_49 = arith.addi %mul3A_44, %mul3A_48 : vector<1x2048xi32>
    %slice3A_50 = vector.extract_strided_slice %convert_element_type3A {offsets = [2, 0], sizes = [1, 2048], strides = [1, 1]} : vector<4x2048xi32> to vector<1x2048xi32>
    %add3A_51 = arith.addi %add3A_49, %slice3A_50 : vector<1x2048xi32>
    %reshape3A = vector.shape_cast %add3A_51 : vector<1x2048xi32> to vector<1x1x2048xi32>
    %swap3A_52 = arith.constant 0 : index
    %swap3A_53 = arith.constant 0 : index
    %swap3A_54 = arith.constant 0 : index
    %swap3A_55 = vector.load %arg9[%swap3A_52, %swap3A_53, %swap3A_54] : memref<1x1x2048xi32, #tpu.memory_space<vmem>>, vector<1x1x2048xi32>
    tpu.vector_store %arg9[%swap3A_52, %swap3A_53, %swap3A_54], %reshape3A {strides = array<i32>} : memref<1x1x2048xi32, #tpu.memory_space<vmem>>, vector<1x1x2048xi32>,
    return
  }
  func.func @transform_0(%arg0: i32) -> (i32, i32) {
    %c0_i32 = arith.constant 0 : i32
    %c0_i32_0 = arith.constant 0 : i32
    return %c0_i32, %arg0 : i32, i32
  }
  func.func @transform_1(%arg0: i32) -> (i32, i32) {
    %c0_i32 = arith.constant 0 : i32
    %c0_i32_0 = arith.constant 0 : i32
    %c0_i32_1 = arith.constant 0 : i32
    return %c0_i32, %c0_i32_0 : i32, i32
  }
  func.func @transform_2(%arg0: i32) -> (i32, i32) {
    %c0_i32 = arith.constant 0 : i32
    %c0_i32_0 = arith.constant 0 : i32
    %c0_i32_1 = arith.constant 0 : i32
    return %c0_i32, %c0_i32_0 : i32, i32
  }
  func.func @transform_3(%arg0: i32) -> (i32, i32) {
    %c0_i32 = arith.constant 0 : i32
    %c0_i32_0 = arith.constant 0 : i32
    %c0_i32_1 = arith.constant 0 : i32
    return %c0_i32, %c0_i32_0 : i32, i32
  }
  func.func @transform_4(%arg0: i32) -> (i32, i32) {
    %c0_i32 = arith.constant 0 : i32
    %c0_i32_0 = arith.constant 0 : i32
    %c0_i32_1 = arith.constant 0 : i32
    return %c0_i32, %c0_i32_0 : i32, i32
  }
  func.func @transform_5(%arg0: i32) -> (i32, i32) {
    %c0_i32 = arith.constant 0 : i32
    %c0_i32_0 = arith.constant 0 : i32
    %c0_i32_1 = arith.constant 0 : i32
    return %c0_i32, %c0_i32_0 : i32, i32
  }
  func.func @transform_6(%arg0: i32) -> (i32, i32) {
    %c0_i32 = arith.constant 0 : i32
    %c0_i32_0 = arith.constant 0 : i32
    %c0_i32_1 = arith.constant 0 : i32
    return %c0_i32, %c0_i32_0 : i32, i32
  }
  func.func @transform_7(%arg0: i32) -> (i32, i32) {
    %c0_i32 = arith.constant 0 : i32
    %c0_i32_0 = arith.constant 0 : i32
    return %c0_i32, %arg0 : i32, i32
  }
  func.func @transform_8(%arg0: i32) -> (i32, i32, i32) {
    %c0_i32 = arith.constant 0 : i32
    %c0_i32_0 = arith.constant 0 : i32
    %c0_i32_1 = arith.constant 0 : i32
    return %arg0, %c0_i32, %c0_i32_0 : i32, i32, i32
  }
}

module attributes {stable_mosaic.version = 14 : i64} {
  func.func @_head_body(%arg0: memref<4x256x16xf32, #tpu.memory_space<vmem>>, %arg1: memref<512x256xf32, #tpu.memory_space<vmem>>, %arg2: memref<512xf32, #tpu.memory_space<vmem>>, %arg3: memref<1024x512xf32, #tpu.memory_space<vmem>>, %arg4: memref<1024xf32, #tpu.memory_space<vmem>>, %arg5: memref<2048x1024xf32, #tpu.memory_space<vmem>>, %arg6: memref<2048xf32, #tpu.memory_space<vmem>>, %arg7: memref<512xf32, #tpu.memory_space<vmem>>, %arg8: memref<512xf32, #tpu.memory_space<vmem>>, %arg9: memref<1024xf32, #tpu.memory_space<vmem>>, %arg10: memref<1024xf32, #tpu.memory_space<vmem>>, %arg11: memref<4x2048xf32, #tpu.memory_space<vmem>>) attributes {dimension_semantics = [], scalar_prefetch = 0 : i64, scratch_operands = 0 : i64, tpu.core_type = #tpu.core_type<tc>} {
    %get3A = arith.constant 0 : index
    %get3A_0 = arith.constant 0 : index
    %get3A_1 = arith.constant 0 : index
    %get3A_2 = vector.load %arg0[%get3A, %get3A_0, %get3A_1] : memref<4x256x16xf32, #tpu.memory_space<vmem>>, vector<4x256x16xf32>
    %reduce_max3A = arith.constant dense<0xFF800000> : vector<4x256xf32>
    %reduce_max3A_3 = vector.multi_reduction <maximumf>, %get3A_2, %reduce_max3A [2] : vector<4x256x16xf32> to vector<4x256xf32>
    %get3A_4 = arith.constant 0 : index
    %get3A_5 = arith.constant 0 : index
    %get3A_6 = vector.load %arg1[%get3A_4, %get3A_5] : memref<512x256xf32, #tpu.memory_space<vmem>>, vector<512x256xf32>
    %dot_general3A = arith.constant dense<0.000000e+00> : vector<4x512xf32>
    %dot_general3A_7 = tpu.matmul %reduce_max3A_3, %get3A_6, %dot_general3A {dimension_numbers = #tpu.dot_dimension_numbers<[1], [1], [0], [0], [0, 0, 1, 0], [], []>, transpose_lhs_hint = false} : vector<4x256xf32>, vector<512x256xf32>, vector<4x512xf32> -> vector<4x512xf32>
    %get3A_8 = arith.constant 0 : index
    %get3A_9 = vector.load %arg2[%get3A_8] : memref<512xf32, #tpu.memory_space<vmem>>, vector<512xf32>
    %broadcast_in_dim3A = vector.shape_cast %get3A_9 : vector<512xf32> to vector<1x512xf32>
    %add3A = vector.broadcast %broadcast_in_dim3A : vector<1x512xf32> to vector<4x512xf32>
    %add3A_10 = arith.addf %dot_general3A_7, %add3A : vector<4x512xf32>
    %get3A_11 = arith.constant 0 : index
    %get3A_12 = vector.load %arg7[%get3A_11] : memref<512xf32, #tpu.memory_space<vmem>>, vector<512xf32>
    %get3A_13 = arith.constant 0 : index
    %get3A_14 = vector.load %arg8[%get3A_13] : memref<512xf32, #tpu.memory_space<vmem>>, vector<512xf32>
    %iota3A = tpu.iota {dimensions = array<i32: 0>} : vector<512x16xi32>
    %jit3A = arith.constant 32 : i32
    %div3A = vector.broadcast %jit3A : i32 to vector<512x16xi32>
    %div3A_15 = arith.divsi %iota3A, %div3A : vector<512x16xi32>
    %sign3A = arith.constant 0 : i32
    %sign3A_16 = vector.broadcast %sign3A : i32 to vector<512x16xi32>
    %sign3A_17 = arith.cmpi sgt, %iota3A, %sign3A_16 : vector<512x16xi32>
    %sign3A_18 = arith.extui %sign3A_17 : vector<512x16xi1> to vector<512x16xi32>
    %sign3A_19 = arith.constant 0 : i32
    %sign3A_20 = vector.broadcast %sign3A_19 : i32 to vector<512x16xi32>
    %sign3A_21 = arith.cmpi slt, %iota3A, %sign3A_20 : vector<512x16xi32>
    %sign3A_22 = arith.extui %sign3A_21 : vector<512x16xi1> to vector<512x16xi32>
    %sign3A_23 = arith.subi %sign3A_18, %sign3A_22 : vector<512x16xi32>
    %sign3A_24 = arith.constant 0 : i32
    %sign3A_25 = arith.cmpi sgt, %jit3A, %sign3A_24 : i32
    %sign3A_26 = arith.extui %sign3A_25 : i1 to i32
    %sign3A_27 = arith.constant 0 : i32
    %sign3A_28 = arith.cmpi slt, %jit3A, %sign3A_27 : i32
    %sign3A_29 = arith.extui %sign3A_28 : i1 to i32
    %sign3A_30 = arith.subi %sign3A_26, %sign3A_29 : i32
    %ne3A = vector.broadcast %sign3A_30 : i32 to vector<512x16xi32>
    %ne3A_31 = arith.cmpi ne, %sign3A_23, %ne3A : vector<512x16xi32>
    %rem3A = vector.broadcast %jit3A : i32 to vector<512x16xi32>
    %rem3A_32 = arith.remsi %iota3A, %rem3A : vector<512x16xi32>
    %ne3A_33 = arith.constant 0 : i32
    %ne3A_34 = vector.broadcast %ne3A_33 : i32 to vector<512x16xi32>
    %ne3A_35 = arith.cmpi ne, %rem3A_32, %ne3A_34 : vector<512x16xi32>
    %and3A = arith.andi %ne3A_31, %ne3A_35 : vector<512x16xi1>
    %sub3A = arith.constant 1 : i32
    %sub3A_36 = vector.broadcast %sub3A : i32 to vector<512x16xi32>
    %sub3A_37 = arith.subi %div3A_15, %sub3A_36 : vector<512x16xi32>
    %select_n3A = arith.select %and3A, %sub3A_37, %div3A_15 : vector<512x16xi1>, vector<512x16xi32>
    %iota3A_38 = tpu.iota {dimensions = array<i32: 1>} : vector<512x16xi32>
    %eq3A = arith.cmpi eq, %select_n3A, %iota3A_38 : vector<512x16xi32>
    %convert_element_type3A = arith.extui %eq3A : vector<512x16xi1> to vector<512x16xi32>
    %convert_element_type3A_39 = arith.sitofp %convert_element_type3A : vector<512x16xi32> to vector<512x16xf32>
    %iota3A_40 = tpu.iota {dimensions = array<i32: 1>} : vector<16x512xi32>
    %jit3A_41 = arith.constant 32 : i32
    %div3A_42 = vector.broadcast %jit3A_41 : i32 to vector<16x512xi32>
    %div3A_43 = arith.divsi %iota3A_40, %div3A_42 : vector<16x512xi32>
    %sign3A_44 = arith.constant 0 : i32
    %sign3A_45 = vector.broadcast %sign3A_44 : i32 to vector<16x512xi32>
    %sign3A_46 = arith.cmpi sgt, %iota3A_40, %sign3A_45 : vector<16x512xi32>
    %sign3A_47 = arith.extui %sign3A_46 : vector<16x512xi1> to vector<16x512xi32>
    %sign3A_48 = arith.constant 0 : i32
    %sign3A_49 = vector.broadcast %sign3A_48 : i32 to vector<16x512xi32>
    %sign3A_50 = arith.cmpi slt, %iota3A_40, %sign3A_49 : vector<16x512xi32>
    %sign3A_51 = arith.extui %sign3A_50 : vector<16x512xi1> to vector<16x512xi32>
    %sign3A_52 = arith.subi %sign3A_47, %sign3A_51 : vector<16x512xi32>
    %sign3A_53 = arith.constant 0 : i32
    %sign3A_54 = arith.cmpi sgt, %jit3A_41, %sign3A_53 : i32
    %sign3A_55 = arith.extui %sign3A_54 : i1 to i32
    %sign3A_56 = arith.constant 0 : i32
    %sign3A_57 = arith.cmpi slt, %jit3A_41, %sign3A_56 : i32
    %sign3A_58 = arith.extui %sign3A_57 : i1 to i32
    %sign3A_59 = arith.subi %sign3A_55, %sign3A_58 : i32
    %ne3A_60 = vector.broadcast %sign3A_59 : i32 to vector<16x512xi32>
    %ne3A_61 = arith.cmpi ne, %sign3A_52, %ne3A_60 : vector<16x512xi32>
    %rem3A_62 = vector.broadcast %jit3A_41 : i32 to vector<16x512xi32>
    %rem3A_63 = arith.remsi %iota3A_40, %rem3A_62 : vector<16x512xi32>
    %ne3A_64 = arith.constant 0 : i32
    %ne3A_65 = vector.broadcast %ne3A_64 : i32 to vector<16x512xi32>
    %ne3A_66 = arith.cmpi ne, %rem3A_63, %ne3A_65 : vector<16x512xi32>
    %and3A_67 = arith.andi %ne3A_61, %ne3A_66 : vector<16x512xi1>
    %sub3A_68 = arith.constant 1 : i32
    %sub3A_69 = vector.broadcast %sub3A_68 : i32 to vector<16x512xi32>
    %sub3A_70 = arith.subi %div3A_43, %sub3A_69 : vector<16x512xi32>
    %select_n3A_71 = arith.select %and3A_67, %sub3A_70, %div3A_43 : vector<16x512xi1>, vector<16x512xi32>
    %iota3A_72 = tpu.iota {dimensions = array<i32: 0>} : vector<16x512xi32>
    %eq3A_73 = arith.cmpi eq, %iota3A_72, %select_n3A_71 : vector<16x512xi32>
    %convert_element_type3A_74 = arith.extui %eq3A_73 : vector<16x512xi1> to vector<16x512xi32>
    %convert_element_type3A_75 = arith.sitofp %convert_element_type3A_74 : vector<16x512xi32> to vector<16x512xf32>
    %dot_general3A_76 = arith.constant dense<0.000000e+00> : vector<4x16xf32>
    %dot_general3A_77 = tpu.matmul %add3A_10, %convert_element_type3A_39, %dot_general3A_76 {dimension_numbers = #tpu.dot_dimension_numbers<[1], [0], [0], [1], [0, 0, 1, 1], [], []>, transpose_lhs_hint = false} : vector<4x512xf32>, vector<512x16xf32>, vector<4x16xf32> -> vector<4x16xf32>
    %div3A_78 = arith.constant 3.200000e+01 : f32
    %div3A_79 = vector.broadcast %div3A_78 : f32 to vector<4x16xf32>
    %div3A_80 = arith.divf %dot_general3A_77, %div3A_79 : vector<4x16xf32>
    %mul3A = arith.mulf %add3A_10, %add3A_10 : vector<4x512xf32>
    %dot_general3A_81 = arith.constant dense<0.000000e+00> : vector<4x16xf32>
    %dot_general3A_82 = tpu.matmul %mul3A, %convert_element_type3A_39, %dot_general3A_81 {dimension_numbers = #tpu.dot_dimension_numbers<[1], [0], [0], [1], [0, 0, 1, 1], [], []>, transpose_lhs_hint = false} : vector<4x512xf32>, vector<512x16xf32>, vector<4x16xf32> -> vector<4x16xf32>
    %div3A_83 = arith.constant 3.200000e+01 : f32
    %div3A_84 = vector.broadcast %div3A_83 : f32 to vector<4x16xf32>
    %div3A_85 = arith.divf %dot_general3A_82, %div3A_84 : vector<4x16xf32>
    %mul3A_86 = arith.mulf %div3A_80, %div3A_80 : vector<4x16xf32>
    %sub3A_87 = arith.subf %div3A_85, %mul3A_86 : vector<4x16xf32>
    %dot_general3A_88 = arith.constant dense<0.000000e+00> : vector<4x512xf32>
    %dot_general3A_89 = tpu.matmul %div3A_80, %convert_element_type3A_75, %dot_general3A_88 {dimension_numbers = #tpu.dot_dimension_numbers<[1], [0], [0], [1], [0, 0, 1, 1], [], []>, transpose_lhs_hint = false} : vector<4x16xf32>, vector<16x512xf32>, vector<4x512xf32> -> vector<4x512xf32>
    %dot_general3A_90 = arith.constant dense<0.000000e+00> : vector<4x512xf32>
    %dot_general3A_91 = tpu.matmul %sub3A_87, %convert_element_type3A_75, %dot_general3A_90 {dimension_numbers = #tpu.dot_dimension_numbers<[1], [0], [0], [1], [0, 0, 1, 1], [], []>, transpose_lhs_hint = false} : vector<4x16xf32>, vector<16x512xf32>, vector<4x512xf32> -> vector<4x512xf32>
    %sub3A_92 = arith.subf %add3A_10, %dot_general3A_89 : vector<4x512xf32>
    %add3A_93 = arith.constant 9.99999974E-6 : f32
    %add3A_94 = vector.broadcast %add3A_93 : f32 to vector<4x512xf32>
    %add3A_95 = arith.addf %dot_general3A_91, %add3A_94 : vector<4x512xf32>
    %rsqrt3A = math.rsqrt %add3A_95 : vector<4x512xf32>
    %mul3A_96 = arith.mulf %sub3A_92, %rsqrt3A : vector<4x512xf32>
    %broadcast_in_dim3A_97 = vector.shape_cast %get3A_12 : vector<512xf32> to vector<1x512xf32>
    %mul3A_98 = vector.broadcast %broadcast_in_dim3A_97 : vector<1x512xf32> to vector<4x512xf32>
    %mul3A_99 = arith.mulf %mul3A_96, %mul3A_98 : vector<4x512xf32>
    %broadcast_in_dim3A_100 = vector.shape_cast %get3A_14 : vector<512xf32> to vector<1x512xf32>
    %add3A_101 = vector.broadcast %broadcast_in_dim3A_100 : vector<1x512xf32> to vector<4x512xf32>
    %add3A_102 = arith.addf %mul3A_99, %add3A_101 : vector<4x512xf32>
    %ge3A = arith.constant 0.000000e+00 : f32
    %ge3A_103 = vector.broadcast %ge3A : f32 to vector<4x512xf32>
    %ge3A_104 = arith.cmpf oge, %add3A_102, %ge3A_103 : vector<4x512xf32>
    %mul3A_105 = arith.constant 0.00999999977 : f32
    %mul3A_106 = vector.broadcast %mul3A_105 : f32 to vector<4x512xf32>
    %mul3A_107 = arith.mulf %mul3A_106, %add3A_102 : vector<4x512xf32>
    %select_n3A_108 = arith.select %ge3A_104, %add3A_102, %mul3A_107 : vector<4x512xi1>, vector<4x512xf32>
    %get3A_109 = arith.constant 0 : index
    %get3A_110 = arith.constant 0 : index
    %get3A_111 = vector.load %arg3[%get3A_109, %get3A_110] : memref<1024x512xf32, #tpu.memory_space<vmem>>, vector<1024x512xf32>
    %dot_general3A_112 = arith.constant dense<0.000000e+00> : vector<4x1024xf32>
    %dot_general3A_113 = tpu.matmul %select_n3A_108, %get3A_111, %dot_general3A_112 {dimension_numbers = #tpu.dot_dimension_numbers<[1], [1], [0], [0], [0, 0, 1, 0], [], []>, transpose_lhs_hint = false} : vector<4x512xf32>, vector<1024x512xf32>, vector<4x1024xf32> -> vector<4x1024xf32>
    %get3A_114 = arith.constant 0 : index
    %get3A_115 = vector.load %arg4[%get3A_114] : memref<1024xf32, #tpu.memory_space<vmem>>, vector<1024xf32>
    %broadcast_in_dim3A_116 = vector.shape_cast %get3A_115 : vector<1024xf32> to vector<1x1024xf32>
    %add3A_117 = vector.broadcast %broadcast_in_dim3A_116 : vector<1x1024xf32> to vector<4x1024xf32>
    %add3A_118 = arith.addf %dot_general3A_113, %add3A_117 : vector<4x1024xf32>
    %get3A_119 = arith.constant 0 : index
    %get3A_120 = vector.load %arg9[%get3A_119] : memref<1024xf32, #tpu.memory_space<vmem>>, vector<1024xf32>
    %get3A_121 = arith.constant 0 : index
    %get3A_122 = vector.load %arg10[%get3A_121] : memref<1024xf32, #tpu.memory_space<vmem>>, vector<1024xf32>
    %iota3A_123 = tpu.iota {dimensions = array<i32: 0>} : vector<1024x16xi32>
    %jit3A_124 = arith.constant 64 : i32
    %div3A_125 = vector.broadcast %jit3A_124 : i32 to vector<1024x16xi32>
    %div3A_126 = arith.divsi %iota3A_123, %div3A_125 : vector<1024x16xi32>
    %sign3A_127 = arith.constant 0 : i32
    %sign3A_128 = vector.broadcast %sign3A_127 : i32 to vector<1024x16xi32>
    %sign3A_129 = arith.cmpi sgt, %iota3A_123, %sign3A_128 : vector<1024x16xi32>
    %sign3A_130 = arith.extui %sign3A_129 : vector<1024x16xi1> to vector<1024x16xi32>
    %sign3A_131 = arith.constant 0 : i32
    %sign3A_132 = vector.broadcast %sign3A_131 : i32 to vector<1024x16xi32>
    %sign3A_133 = arith.cmpi slt, %iota3A_123, %sign3A_132 : vector<1024x16xi32>
    %sign3A_134 = arith.extui %sign3A_133 : vector<1024x16xi1> to vector<1024x16xi32>
    %sign3A_135 = arith.subi %sign3A_130, %sign3A_134 : vector<1024x16xi32>
    %sign3A_136 = arith.constant 0 : i32
    %sign3A_137 = arith.cmpi sgt, %jit3A_124, %sign3A_136 : i32
    %sign3A_138 = arith.extui %sign3A_137 : i1 to i32
    %sign3A_139 = arith.constant 0 : i32
    %sign3A_140 = arith.cmpi slt, %jit3A_124, %sign3A_139 : i32
    %sign3A_141 = arith.extui %sign3A_140 : i1 to i32
    %sign3A_142 = arith.subi %sign3A_138, %sign3A_141 : i32
    %ne3A_143 = vector.broadcast %sign3A_142 : i32 to vector<1024x16xi32>
    %ne3A_144 = arith.cmpi ne, %sign3A_135, %ne3A_143 : vector<1024x16xi32>
    %rem3A_145 = vector.broadcast %jit3A_124 : i32 to vector<1024x16xi32>
    %rem3A_146 = arith.remsi %iota3A_123, %rem3A_145 : vector<1024x16xi32>
    %ne3A_147 = arith.constant 0 : i32
    %ne3A_148 = vector.broadcast %ne3A_147 : i32 to vector<1024x16xi32>
    %ne3A_149 = arith.cmpi ne, %rem3A_146, %ne3A_148 : vector<1024x16xi32>
    %and3A_150 = arith.andi %ne3A_144, %ne3A_149 : vector<1024x16xi1>
    %sub3A_151 = arith.constant 1 : i32
    %sub3A_152 = vector.broadcast %sub3A_151 : i32 to vector<1024x16xi32>
    %sub3A_153 = arith.subi %div3A_126, %sub3A_152 : vector<1024x16xi32>
    %select_n3A_154 = arith.select %and3A_150, %sub3A_153, %div3A_126 : vector<1024x16xi1>, vector<1024x16xi32>
    %iota3A_155 = tpu.iota {dimensions = array<i32: 1>} : vector<1024x16xi32>
    %eq3A_156 = arith.cmpi eq, %select_n3A_154, %iota3A_155 : vector<1024x16xi32>
    %convert_element_type3A_157 = arith.extui %eq3A_156 : vector<1024x16xi1> to vector<1024x16xi32>
    %convert_element_type3A_158 = arith.sitofp %convert_element_type3A_157 : vector<1024x16xi32> to vector<1024x16xf32>
    %iota3A_159 = tpu.iota {dimensions = array<i32: 1>} : vector<16x1024xi32>
    %jit3A_160 = arith.constant 64 : i32
    %div3A_161 = vector.broadcast %jit3A_160 : i32 to vector<16x1024xi32>
    %div3A_162 = arith.divsi %iota3A_159, %div3A_161 : vector<16x1024xi32>
    %sign3A_163 = arith.constant 0 : i32
    %sign3A_164 = vector.broadcast %sign3A_163 : i32 to vector<16x1024xi32>
    %sign3A_165 = arith.cmpi sgt, %iota3A_159, %sign3A_164 : vector<16x1024xi32>
    %sign3A_166 = arith.extui %sign3A_165 : vector<16x1024xi1> to vector<16x1024xi32>
    %sign3A_167 = arith.constant 0 : i32
    %sign3A_168 = vector.broadcast %sign3A_167 : i32 to vector<16x1024xi32>
    %sign3A_169 = arith.cmpi slt, %iota3A_159, %sign3A_168 : vector<16x1024xi32>
    %sign3A_170 = arith.extui %sign3A_169 : vector<16x1024xi1> to vector<16x1024xi32>
    %sign3A_171 = arith.subi %sign3A_166, %sign3A_170 : vector<16x1024xi32>
    %sign3A_172 = arith.constant 0 : i32
    %sign3A_173 = arith.cmpi sgt, %jit3A_160, %sign3A_172 : i32
    %sign3A_174 = arith.extui %sign3A_173 : i1 to i32
    %sign3A_175 = arith.constant 0 : i32
    %sign3A_176 = arith.cmpi slt, %jit3A_160, %sign3A_175 : i32
    %sign3A_177 = arith.extui %sign3A_176 : i1 to i32
    %sign3A_178 = arith.subi %sign3A_174, %sign3A_177 : i32
    %ne3A_179 = vector.broadcast %sign3A_178 : i32 to vector<16x1024xi32>
    %ne3A_180 = arith.cmpi ne, %sign3A_171, %ne3A_179 : vector<16x1024xi32>
    %rem3A_181 = vector.broadcast %jit3A_160 : i32 to vector<16x1024xi32>
    %rem3A_182 = arith.remsi %iota3A_159, %rem3A_181 : vector<16x1024xi32>
    %ne3A_183 = arith.constant 0 : i32
    %ne3A_184 = vector.broadcast %ne3A_183 : i32 to vector<16x1024xi32>
    %ne3A_185 = arith.cmpi ne, %rem3A_182, %ne3A_184 : vector<16x1024xi32>
    %and3A_186 = arith.andi %ne3A_180, %ne3A_185 : vector<16x1024xi1>
    %sub3A_187 = arith.constant 1 : i32
    %sub3A_188 = vector.broadcast %sub3A_187 : i32 to vector<16x1024xi32>
    %sub3A_189 = arith.subi %div3A_162, %sub3A_188 : vector<16x1024xi32>
    %select_n3A_190 = arith.select %and3A_186, %sub3A_189, %div3A_162 : vector<16x1024xi1>, vector<16x1024xi32>
    %iota3A_191 = tpu.iota {dimensions = array<i32: 0>} : vector<16x1024xi32>
    %eq3A_192 = arith.cmpi eq, %iota3A_191, %select_n3A_190 : vector<16x1024xi32>
    %convert_element_type3A_193 = arith.extui %eq3A_192 : vector<16x1024xi1> to vector<16x1024xi32>
    %convert_element_type3A_194 = arith.sitofp %convert_element_type3A_193 : vector<16x1024xi32> to vector<16x1024xf32>
    %dot_general3A_195 = arith.constant dense<0.000000e+00> : vector<4x16xf32>
    %dot_general3A_196 = tpu.matmul %add3A_118, %convert_element_type3A_158, %dot_general3A_195 {dimension_numbers = #tpu.dot_dimension_numbers<[1], [0], [0], [1], [0, 0, 1, 1], [], []>, transpose_lhs_hint = false} : vector<4x1024xf32>, vector<1024x16xf32>, vector<4x16xf32> -> vector<4x16xf32>
    %div3A_197 = arith.constant 6.400000e+01 : f32
    %div3A_198 = vector.broadcast %div3A_197 : f32 to vector<4x16xf32>
    %div3A_199 = arith.divf %dot_general3A_196, %div3A_198 : vector<4x16xf32>
    %mul3A_200 = arith.mulf %add3A_118, %add3A_118 : vector<4x1024xf32>
    %dot_general3A_201 = arith.constant dense<0.000000e+00> : vector<4x16xf32>
    %dot_general3A_202 = tpu.matmul %mul3A_200, %convert_element_type3A_158, %dot_general3A_201 {dimension_numbers = #tpu.dot_dimension_numbers<[1], [0], [0], [1], [0, 0, 1, 1], [], []>, transpose_lhs_hint = false} : vector<4x1024xf32>, vector<1024x16xf32>, vector<4x16xf32> -> vector<4x16xf32>
    %div3A_203 = arith.constant 6.400000e+01 : f32
    %div3A_204 = vector.broadcast %div3A_203 : f32 to vector<4x16xf32>
    %div3A_205 = arith.divf %dot_general3A_202, %div3A_204 : vector<4x16xf32>
    %mul3A_206 = arith.mulf %div3A_199, %div3A_199 : vector<4x16xf32>
    %sub3A_207 = arith.subf %div3A_205, %mul3A_206 : vector<4x16xf32>
    %dot_general3A_208 = arith.constant dense<0.000000e+00> : vector<4x1024xf32>
    %dot_general3A_209 = tpu.matmul %div3A_199, %convert_element_type3A_194, %dot_general3A_208 {dimension_numbers = #tpu.dot_dimension_numbers<[1], [0], [0], [1], [0, 0, 1, 1], [], []>, transpose_lhs_hint = false} : vector<4x16xf32>, vector<16x1024xf32>, vector<4x1024xf32> -> vector<4x1024xf32>
    %dot_general3A_210 = arith.constant dense<0.000000e+00> : vector<4x1024xf32>
    %dot_general3A_211 = tpu.matmul %sub3A_207, %convert_element_type3A_194, %dot_general3A_210 {dimension_numbers = #tpu.dot_dimension_numbers<[1], [0], [0], [1], [0, 0, 1, 1], [], []>, transpose_lhs_hint = false} : vector<4x16xf32>, vector<16x1024xf32>, vector<4x1024xf32> -> vector<4x1024xf32>
    %sub3A_212 = arith.subf %add3A_118, %dot_general3A_209 : vector<4x1024xf32>
    %add3A_213 = arith.constant 9.99999974E-6 : f32
    %add3A_214 = vector.broadcast %add3A_213 : f32 to vector<4x1024xf32>
    %add3A_215 = arith.addf %dot_general3A_211, %add3A_214 : vector<4x1024xf32>
    %rsqrt3A_216 = math.rsqrt %add3A_215 : vector<4x1024xf32>
    %mul3A_217 = arith.mulf %sub3A_212, %rsqrt3A_216 : vector<4x1024xf32>
    %broadcast_in_dim3A_218 = vector.shape_cast %get3A_120 : vector<1024xf32> to vector<1x1024xf32>
    %mul3A_219 = vector.broadcast %broadcast_in_dim3A_218 : vector<1x1024xf32> to vector<4x1024xf32>
    %mul3A_220 = arith.mulf %mul3A_217, %mul3A_219 : vector<4x1024xf32>
    %broadcast_in_dim3A_221 = vector.shape_cast %get3A_122 : vector<1024xf32> to vector<1x1024xf32>
    %add3A_222 = vector.broadcast %broadcast_in_dim3A_221 : vector<1x1024xf32> to vector<4x1024xf32>
    %add3A_223 = arith.addf %mul3A_220, %add3A_222 : vector<4x1024xf32>
    %ge3A_224 = arith.constant 0.000000e+00 : f32
    %ge3A_225 = vector.broadcast %ge3A_224 : f32 to vector<4x1024xf32>
    %ge3A_226 = arith.cmpf oge, %add3A_223, %ge3A_225 : vector<4x1024xf32>
    %mul3A_227 = arith.constant 0.00999999977 : f32
    %mul3A_228 = vector.broadcast %mul3A_227 : f32 to vector<4x1024xf32>
    %mul3A_229 = arith.mulf %mul3A_228, %add3A_223 : vector<4x1024xf32>
    %select_n3A_230 = arith.select %ge3A_226, %add3A_223, %mul3A_229 : vector<4x1024xi1>, vector<4x1024xf32>
    %get3A_231 = arith.constant 0 : index
    %get3A_232 = arith.constant 0 : index
    %get3A_233 = vector.load %arg5[%get3A_231, %get3A_232] : memref<2048x1024xf32, #tpu.memory_space<vmem>>, vector<2048x1024xf32>
    %dot_general3A_234 = arith.constant dense<0.000000e+00> : vector<4x2048xf32>
    %dot_general3A_235 = tpu.matmul %select_n3A_230, %get3A_233, %dot_general3A_234 {dimension_numbers = #tpu.dot_dimension_numbers<[1], [1], [0], [0], [0, 0, 1, 0], [], []>, transpose_lhs_hint = false} : vector<4x1024xf32>, vector<2048x1024xf32>, vector<4x2048xf32> -> vector<4x2048xf32>
    %get3A_236 = arith.constant 0 : index
    %get3A_237 = vector.load %arg6[%get3A_236] : memref<2048xf32, #tpu.memory_space<vmem>>, vector<2048xf32>
    %broadcast_in_dim3A_238 = vector.shape_cast %get3A_237 : vector<2048xf32> to vector<1x2048xf32>
    %add3A_239 = vector.broadcast %broadcast_in_dim3A_238 : vector<1x2048xf32> to vector<4x2048xf32>
    %add3A_240 = arith.addf %dot_general3A_235, %add3A_239 : vector<4x2048xf32>
    %swap3A = arith.constant 0 : index
    %swap3A_241 = arith.constant 0 : index
    %swap3A_242 = vector.load %arg11[%swap3A, %swap3A_241] : memref<4x2048xf32, #tpu.memory_space<vmem>>, vector<4x2048xf32>
    tpu.vector_store %arg11[%swap3A, %swap3A_241], %add3A_240 {strides = array<i32>} : memref<4x2048xf32, #tpu.memory_space<vmem>>, vector<4x2048xf32>,
    return
  }
}

</mosaic_0001>

<sc_bundles>
// kernel: kernel.5.cloned.1.call-start
scs
__scs_entry_jumppad:
0x0: {  	(pc) =	sbr.rel $0x88, $3  }
0x1: {  	(tag) =	ssettag $0x0;
	lr =	simm.s32 $0x1  }
0x2: {  	[smem:$0x3F90] =	sst lr;
	_ =	strace $0xD0000000  }
0x3: {  	_ = 	snop  }
0x4: {  	_ = 	snop  }
0x5: {  	_ = 	snop  }
0x6: {  	_ = 	snop  }
0x7: {  	_ = 	snop  }
__scs_overlays_trampoline_lowered:
0x8: {  	[smem:$0x3F9F] =	sst s0  }
0x9: {  	[smem:$0x3FA0] =	sst s1  }
0xa: {  	[smem:$0x3FA1] =	sst s2  }
0xb: {  	[smem:$0x3FA2] =	sst s3  }
0xc: {  	[smem:$0x3FA3] =	sst s4  }
0xd: {  	[smem:$0x3FA4] =	sst s5  }
0xe: {  	[smem:$0x3FA5] =	sst s6  }
0xf: {  	[smem:$0x3FA6] =	sst s7  }
0x10: {  	[smem:$0x3FA7] =	sst s8  }
0x11: {  	[smem:$0x3FA8] =	sst s9;
	s0 =	simm.s32 @!p0 $0x0  }
0x12: {  	s1 =	sld [smem:$0x3F8E];
	s0 =	simm.s32 @p0 $0x1  }
0x13: {  	[smem:$0x3FA9] =	sst s0;
	s0 =	simm.s32 @!p1 $0x0  }
0x14: {  	s2 =	sld [smem:$0x3F8D];
	s0 =	simm.s32 @p1 $0x1  }
0x15: {  	[smem:$0x3FAA] =	sst s0;
	s0 =	simm.s32 @!p2 $0x0  }
0x16: {  	s3 =	sld [smem:$0x3FDB];
	s0 =	simm.s32 @p2 $0x1  }
0x17: {  	s4 =	simm.s32 $0x1BF5;
	[smem:$0x3FAC] =	sst s0  }
0x18: {  	s0 =	sld [smem:$0x3F8F];
	_ =	swait.ge [sflag:s4], $0x0  }
0x19: {  	s7 =	sld [smem:$0x3F90]  }
0x1a: {  	s8 =	sadd.s32 $0xFFFFE003, lr  }
0x1b: {  	s9 =	sadd.s32 $0xFFFFFEF7, lr;
	s5 =	simm.s32 $0xFFFFFFFF;
	p2 =	slt.u32 s8, $0xFFFFF086  }
0x1c: {  	p1 =	slt.u32 s9, $0xF7A;
	s5 =	simm.s32 @!p2 $0x0  }
0x1d: {  	s5 =	simm.s32 @p1 $0x1;
	p0 =	seq.s32 s7, s2  }
0x1e: {  	s7 =	smul.u32 @!p0 $0xF7A, s2;
	p2 =	seq.s32 @!p0 s5, $0x0  }
0x1f: {  	s9 =	smul.u32 $0xF7A, s1;
	s8 =	simm.s32 @!p0 $0x1BF5;
	p2 =	por !p2, p0  }
0x20: {  	[sflag:s8] =	ssyncset.s32 @!p0 $0xFFFFF086;
	s6 =	sadd.s32 @!p0 s3, s7;
	s7 =	simm.s32 @!p0 $0x108  }
0x21: {  	s3 =	sadd.s32 s3, s9;
	s6 =	sadd.s32 @!p0 $0x88, s6;
	s7 =	simm.s32 @p2 $0x1082  }
0x22: {  	[simem:s7], [sflag:s8] =	dma.local @!p0 [hbm:s6], $0xF7A  }
0x23: {  	s9 =	sor.u32 $0xD0000000, s2;
	s6 =	simm.s32 $0x108;
	_ =	swait.ge @!p0 [sflag:s8], $0x0  }
0x24: {  	s3 =	sadd.s32 $0x88, s3;
	s6 =	simm.s32 @!p1 $0x1082;
	[sflag:s4] =	ssyncset.s32 $0xFFFFF086  }
0x25: {  	[simem:s6], [sflag:s4] =	dma.local [hbm:s3], $0xF7A  }
0x26: {  	[smem:$0x3F90] =	sst s1;
	(tag) =	ssettag s2;
	_ =	strace s9  }
0x27: {  	s1 =	sld [smem:$0x3FA0]  }
0x28: {  	s2 =	sld [smem:$0x3FA1]  }
0x29: {  	s4 =	sld [smem:$0x3FA3]  }
0x2a: {  	p0 =	seq.s32 s5, $0x0;
	s5 =	sld [smem:$0x3FA4]  }
0x2b: {  	s6 =	sld [smem:$0x3FA5]  }
0x2c: {  	s7 =	sld [smem:$0x3FA6]  }
0x2d: {  	s3 =	simm.s32 $0x108;
	s8 =	sld [smem:$0x3FA7]  }
0x2e: {  	s3 =	simm.s32 @!p0 $0x1082;
	s9 =	sld [smem:$0x3FA8]  }
0x2f: {  	lr =	sadd.s32 s0, s3;
	s0 =	sld [smem:$0x3F9F]  }
0x30: {  	s3 =	sld [smem:$0x3FA2]  }
0x31: {  	[smem:$0x3FAB] =	sst s10  }
0x32: {  	s10 =	sld [smem:$0x3FA9];
	_ =	sdelay $0x3  }
0x33: {  	p0 =	seq.s32 s10, $0x1;
	s10 =	sld [smem:$0x3FAB];
	_ =	sdelay $0x3  }
0x34: {  	[smem:$0x3FAB] =	sst s10  }
0x35: {  	s10 =	sld [smem:$0x3FAA];
	_ =	sdelay $0x3  }
0x36: {  	p1 =	seq.s32 s10, $0x1;
	s10 =	sld [smem:$0x3FAB];
	_ =	sdelay $0x3  }
0x37: {  	[smem:$0x3FAB] =	sst s10  }
0x38: {  	s10 =	sld [smem:$0x3FAC]  }
0x39: {  	_ = 	snop;
	(pc) =	sbr.ind lr, $3  }
0x3a: {  	_ = 	snop  }
0x3b: {  	_ = 	snop  }
0x3c: {  	p2 =	seq.s32 s10, $0x1;
	s10 =	sld [smem:$0x3FAB]  }
0x3d: {  	_ =	shalt  }
0x3e: {  	_ =	shalt  }
0x3f: {  	_ =	shalt  }
0x40: {  	_ =	shalt  }
0x41: {  	_ =	shalt  }
0x42: {  	_ =	shalt  }
0x43: {  	_ =	shalt  }
0x44: {  	_ =	shalt  }
0x45: {  	_ =	shalt  }
0x46: {  	_ =	shalt  }
0x47: {  	_ =	shalt  }
0x48: {  	_ =	shalt  }
0x49: {  	_ =	shalt  }
0x4a: {  	_ =	shalt  }
0x4b: {  	_ =	shalt  }
0x4c: {  	_ =	shalt  }
0x4d: {  	_ =	shalt  }
0x4e: {  	_ =	shalt  }
0x4f: {  	_ =	shalt  }
0x50: {  	_ =	shalt  }
0x51: {  	_ =	shalt  }
0x52: {  	_ =	shalt  }
0x53: {  	_ =	shalt  }
0x54: {  	_ =	shalt  }
0x55: {  	_ =	shalt  }
0x56: {  	_ =	shalt  }
0x57: {  	_ =	shalt  }
0x58: {  	_ =	shalt  }
0x59: {  	_ =	shalt  }
0x5a: {  	_ =	shalt  }
0x5b: {  	_ =	shalt  }
0x5c: {  	_ =	shalt  }
0x5d: {  	_ =	shalt  }
0x5e: {  	_ =	shalt  }
0x5f: {  	_ =	shalt  }
0x60: {  	_ =	shalt  }
0x61: {  	_ =	shalt  }
0x62: {  	_ =	shalt  }
0x63: {  	_ =	shalt  }
0x64: {  	_ =	shalt  }
0x65: {  	_ =	shalt  }
0x66: {  	_ =	shalt  }
0x67: {  	_ =	shalt  }
0x68: {  	_ =	shalt  }
0x69: {  	_ =	shalt  }
0x6a: {  	_ =	shalt  }
0x6b: {  	_ =	shalt  }
0x6c: {  	_ =	shalt  }
0x6d: {  	_ =	shalt  }
0x6e: {  	_ =	shalt  }
0x6f: {  	_ =	shalt  }
0x70: {  	_ =	shalt  }
0x71: {  	_ =	shalt  }
0x72: {  	_ =	shalt  }
0x73: {  	_ =	shalt  }
0x74: {  	_ =	shalt  }
0x75: {  	_ =	shalt  }
0x76: {  	_ =	shalt  }
0x77: {  	_ =	shalt  }
0x78: {  	_ =	shalt  }
0x79: {  	_ =	shalt  }
0x7a: {  	_ =	shalt  }
0x7b: {  	_ =	shalt  }
0x7c: {  	_ =	shalt  }
0x7d: {  	_ =	shalt  }
0x7e: {  	_ =	shalt  }
0x7f: {  	_ =	shalt  }
0x80: {  	_ =	shalt  }
0x81: {  	_ =	shalt  }
0x82: {  	_ =	shalt  }
0x83: {  	_ =	shalt  }
0x84: {  	_ =	shalt  }
0x85: {  	_ =	shalt  }
0x86: {  	_ =	shalt  }
0x87: {  	_ =	shalt  }
.Lfunc_end0:
.L_simem_size_0:
called_computation_lowered:
.L_overlay_start_0:
0x88: {  	s2 =	sld [smem:$0x3FD9]  }
0x89: {  	s3 =	sld [smem:$0x3FFE];
	_ =	sdelay $0x1  }
0x8a: {  	s1 =	srdreg.scid  }
0x8b: {  	s0 =	sand.u32 $0x1, s1  }
0x8c: {  	s16 =	sshll.u32 s0, $0xA;
	s2 =	sadd.s32 s3, s2  }
0x8d: {  	s2 =	sadd.s32 s2, s16  }
0x8e: {  	[smem:$0x3FB7] =	sst s2  }
0x8f: {  	_ = 	snop  }
0x90: {  	(tm) =	ssettm $0x1  }
0x91: {  	s17 =	sld [smem:$0x3FFB];
	_ =	sdelay $0x3  }
0x92: {  	_ =	strace s17  }
0x93: {  	s2 =	sld [smem:$0x3FFC];
	_ =	sdelay $0x3  }
0x94: {  	_ =	strace s2  }
0x95: {  	s2 =	sld [smem:$0x3FFD];
	_ =	sdelay $0x3  }
0x96: {  	_ =	strace s2  }
0x97: {  	_ =	strace $0x8FFFFFFF  }
0x98: {  	s18 =	sld [smem:$0x3FDB];
	_ =	sdelay $0x1  }
0x99: {  	s19 =	simm.s32 $_scs_section_size  }
0x9a: {  	s4 =	simm.s32 $_size__tile_overlayer_lowered;
	s5 =	simm.s32 $_tile_overlayer_lowered  }
0x9b: {  	s22 =	simm.s32 $0x1BFF;
	s21 =	sshll.u32 s5, $0x1;
	s2 =	sadd.s32 s19, s18  }
0x9c: {  	s6 =	simm.s32 $0x0;
	s20 =	sshll.u32 s4, $0x1;
	s4 =	sadd.s32 s21, s2  }
0x9d: {  	[timem:s6], [sflag:s22] =	dma.local [hbm:s4], s20  }
0x9e: {  	_ =	swait.ge [sflag:s22], s20  }
0x9f: {  	s3 =	ssub.s32 $0x0, s20;
	[sflag:s22] =	ssyncset.done $0x0  }
0xa0: {  	[sflag:s22] =	ssyncadd.s32 s3;
	_ =	sdelay $0x1  }
0xa1: {  	s23 =	simm.s32 $0x1B8B  }
0xa2: {  	_ =	swait.ge [sflag:s23], $0x1  }
0xa3: {  	[sflag:s23] =	ssyncset.done $0x0  }
0xa4: {  	s25 =	simm.s32 $0x1B8E;
	s24 =	sld [smem:$0x3FFE];
	[sflag:s23] =	ssyncadd.s32 $0xFFFFFFFF  }
0xa5: {  	s26 =	simm.s32 $execute0_lowered;
	[smem:$0x3FD2] =	sst s25  }
0xa6: {  	s4 =	sshll.u32 s26, $0x1;
	_ =	strace $0x80000046;
	[dreg:$0x1] =	wrdreg $0xFFFFFFFF  }
0xa7: {  	s28 =	simm.s32 $_size_execute0_lowered;
	s2 =	sadd.s32 s2, s4;
	[dreg:$0x0] =	wrdreg $0x0  }
0xa8: {  	s4 =	sshll.u32 s28, $0x1;
	[dreg:$0x2] =	wrdreg s2  }
0xa9: {  	[dreg:$0x3] =	wrdreg s4  }
0xaa: {  	[dreg:$0x4] =	wrdreg $0xC0  }
0xab: {  	_ =	task [dreg:s6], $0x5FFFF  }
0xac: {  	[dreg:$0x1] =	wrdreg $0xFFFFFFFF  }
0xad: {  	[dreg:$0x0] =	wrdreg $0x60  }
0xae: {  	[dreg:$0x2] =	wrdreg s24  }
0xaf: {  	[dreg:$0x3] =	wrdreg $0x9  }
0xb0: {  	_ =	task.clear_ibuf [dreg:s6], $0x4FFFF;
	_ =	strace $0x90000046  }
0xb1: {  	s29 =	simm.s32 $0x9;
	_ =	strace $0x80000048  }
0xb2: {  	_ =	swait.ge [sflag:s29], $0x1  }
0xb3: {  	[sflag:s29] =	ssyncadd.s32 $0xFFFFFFFF  }
0xb4: {  	_ =	strace $0x90000048  }
0xb5: {  	_ =	sfence  }
0xb6: {  	s30 =	sld [smem:$0x0];
	_ =	sdelay $0x2  }
0xb7: {  	s31 =	sshll.u32 s1, $0xD;
	s1 =	sshrl.u32 s1, $0x2  }
0xb8: {  	s3 =	sand.u32 $0x4000, s31;
	s1 =	sadd.s32 s1, s30  }
0xb9: {  	s0 =	sor.u32 s3, s0;
	s1 =	sshll.u32 s1, $0x11  }
0xba: {  	s0 =	sor.u32 s1, s0  }
0xbb: {  	s0 =	sadd.s32 $0x8F2B, s0  }
0xbc: {  	[sflag:s0] =	ssyncadd.remote.s32 $0x1  }
0xbd: {  	_ =	sfence.sel $0xFFFF  }
0xbe: {  	[dreg:$0x0] =	wrdreg $0xFFFFFFFF;
	(pc) =	sbr.abs _section_cstart, $3  }
0xbf: {  	[dreg:$0x1] =	wrdreg $0xFFFFFFFF  }
0xc0: {  	_ =	task.clear_ibuf [dreg:s6], $0x2FFFF;
	_ =	strace $0x9FFFFFFF  }
0xc1: {  	(tm) =	ssettm $0x7FFFFFFF  }
tec
execute0_lowered:
.L_overlay_start_1:
0x0: {  	(tag) =	ssettag $0x1  }
0x1: {  	s9 =	rddreg [dreg:$0x0]  }
0x2: {  	s0 =	rddreg [dreg:$0x1]  }
0x3: {  	s2 =	simm.s32 $0x0;
	s1 =	stileid.u32;
	s6 =	srdreg.scid  }
0x4: {  	s14 =	simm.s32 $0x2;
	s15 =	simm.s32 $0x10000;
	s16 =	simm.s32 $0x1  }
0x5: {  	s17 =	simm.s32 $0xC000;
	s18 =	simm.s32 $0x1C000;
	s19 =	simm.s32 $0x3  }
0x6: {  	s20 =	simm.s32 $0x0;
	[smem:$0x7FF] =	sst s2;
	s3 =	sadd.s32 $0x202200, s9  }
0x7: {  	s4 =	sshrl.u32 s1, $0x2;
	s7 =	sshll.u32 s1, $0x1;
	s25 =	sand.u32 $0x1, s6  }
0x8: {  	_ =	strace $0x80000047;
	s5 =	sshll.u32 s4, $0x4;
	s26 =	sand.u32 $0x6, s7  }
0x9: {  	s28 =	sshll.u32 s4, $0xC;
	s10 =	ssub.s32 $0x2, s25;
	s4 =	sshll.u32 s4, $0x7  }
0xa: {  	s8 =	sadd.s32 s5, s9;
	s11 =	sor.u32 s25, s26;
	s29 =	sshrl.u32 s10, $0x1  }
0xb: {  	s12 =	sadd.s32 s28, s9;
	s9 =	sadd.s32 $0x203200, s9;
	s5 =	sshll.u32 s11, $0x15  }
0xc: {  	s13 =	ssub.s32 s10, s29;
	s6 =	sadd.s32 $0x2200, s8;
	s31 =	sshll.u32 s11, $0x9  }
0xd: {  	s8 =	sor.u32 $0x20000, s4;
	s30 =	sor.u32 s4, s5;
	s10 =	sadd.s32 s31, s12  }
0xe: {  	s11 =	smax.u32 s13, $0x1;
	s12 =	simm.s32 $0x80;
	s7 =	sshrl.u32 s30, $0x3  }
0xf: {  	v0 =	vimm.f32 $0.0e+00;
	s13 =	simm.s32 $0x200;
	s10 =	sadd.s32 $0x4200, s10;
	s7 =	sadd.s32 s3, s7  }
.LBB2_1:
0x10: {  	[tilespmem:s2], [sflag:$0x2] =	stream.strided.gather [hbm4b:s6+s12], $0x4000, s13, s12, $0x38;
	[tilespmem:$0x1D000] =	vst v63  }
0x11: {  	s21 =	simm.s32 $0xC040  }
0x12: {  	[tilespmem:s21+$0xFFFFFFC0] =	vst v0  }
0x13: {  	[tilespmem:s21+$0x30] =	vst v0  }
0x14: {  	[tilespmem:s21+$0x20] =	vst v0  }
0x15: {  	[tilespmem:s21+$0x10] =	vst v0  }
0x16: {  	[tilespmem:s21+$0x0] =	vst v0  }
0x17: {  	[tilespmem:s21+$0xFFFFFFF0] =	vst v0  }
0x18: {  	s22 =	simm.s32 $0x0;
	[tilespmem:s21+$0xFFFFFFE0] =	vst v0  }
.LBB2_2:
0x19: {  	s22 =	sadd.s32 $0x8, s22;
	[tilespmem:s21+$0xFFFFFFD0] =	vst v0;
	s21 =	sadd.s32 $0x80, s21  }
0x1a: {  	[tilespmem:s21+$0xFFFFFFC0] =	vst v0;
	p0 =	slt.u32 s22, $0xFF8  }
0x1b: {  	[tilespmem:s21+$0x30] =	vst v0  }
.Ltmp0:
0x1c: {  	[tilespmem:s21+$0x20] =	vst v0;
	(pc) =	sbr.rel @p0 .LBB2_2-.Ltmp0, $4  }
0x1d: {  	[tilespmem:s21+$0x10] =	vst v0  }
0x1e: {  	[tilespmem:s21+$0x0] =	vst v0  }
0x1f: {  	[tilespmem:s21+$0xFFFFFFF0] =	vst v0  }
0x20: {  	[tilespmem:s21+$0xFFFFFFE0] =	vst v0  }
0x21: {  	[tilespmem:s21+$0xFFFFFFD0] =	vst v0  }
0x22: {  	s21 =	simm.s32 $0x0;
	_ =	swait.ge [sflag:s14], $0x4000  }
0x23: {  	s22 =	simm.s32 $0x4000;
	s23 =	simm.s32 $0x40;
	[sflag:s14] =	ssyncset.done $0x0  }
0x24: {  	s25 =	sadd.s32 $0x0, s7;
	s24 =	simm.s32 $0x4100;
	[sflag:s14] =	ssyncadd.s32 $0xFFFFC000  }
.LBB2_4:
0x25: {  	[tilespmem:s22], [sflag:$0x1] =	stream.strided.gather [hbm4b:s25+s12], $0x100, s15, s12, $0x38;
	[tilespmem:$0x1D000] =	vst v63  }
0x26: {  	s25 =	smov.u32 s23;
	s22 =	smov.u32 s24;
	p0 =	sne.s32 s23, $0xFC0  }
.Ltmp1:
0x27: {  	s23 =	sadd.s32 $0x40, s23;
	(pc) =	sbr.rel @p0 .LBB2_4-.Ltmp1, $2  }
0x28: {  	_ =	sdelay $0x2  }
0x29: {  	s24 =	sadd.s32 $0x100, s24;
	s25 =	sadd.s32 s25, s7  }
0x2a: {  	[tilespmem:s22], [sflag:$0x1] =	stream.strided.gather [hbm4b:s25+s12], $0x100, s15, s12, $0x38;
	[tilespmem:$0x1D000] =	vst v63  }
.LBB2_6:
0x2b: {  	s22 =	sshll.u32 s21, $0x11  }
0x2c: {  	s22 =	sadd.s32 s5, s22  }
0x2d: {  	_ =	swait.ge [sflag:s16], $0x4000;
	s23 =	sor.u32 s4, s22  }
0x2e: {  	s24 =	simm.s32 $0x0;
	[sflag:s16] =	ssyncset.done $0x0;
	s23 =	sshrl.u32 s23, $0x3  }
0x2f: {  	s25 =	simm.s32 $0x8000;
	[sflag:s16] =	ssyncadd.s32 $0xFFFFC000;
	s23 =	sadd.s32 s23, s9  }
.LBB2_7:
0x30: {  	p0 =	sne.s32 s24, $0xFC0  }
.Ltmp2:
0x31: {  	_ = 	snop;
	(pc) =	sbr.rel @p0 .LBB2_7-.Ltmp2, $4  }
0x32: {  	_ = 	snop  }
0x33: {  	s26 =	sadd.s32 s24, s23  }
0x34: {  	[tilespmem:s25], [sflag:$0x2] =	stream.strided.gather [hbm4b:s26+s12], $0x100, s15, s12, $0x38;
	[tilespmem:$0x1D000] =	vst v63  }
0x35: {  	s24 =	sadd.s32 $0x40, s24;
	s25 =	sadd.s32 $0x100, s25  }
0x36: {  	s24 =	simm.s32 $0x40  }
0x37: {  	v1 =	vld [tilespmem:s24+$0x30]  }
0x38: {  	v2 =	vld [tilespmem:s24+$0xFFFFFFD0]  }
0x39: {  	s23 =	simm.s32 $0x4080;
	v3 =	vld [tilespmem:s24+$0xFFFFFFE0]  }
0x3a: {  	v4 =	vld [tilespmem:s23+$0xFFFFFFF0]  }
0x3b: {  	v5 =	vld [tilespmem:s24+$0xFFFFFFF0]  }
0x3c: {  	v6 =	vld [tilespmem:s24+$0x0]  }
0x3d: {  	v7 =	vld [tilespmem:s24+$0x10]  }
0x3e: {  	v8 =	vld [tilespmem:s24+$0x20]  }
0x3f: {  	v9 =	vld [tilespmem:s24+$0xFFFFFFC0]  }
0x40: {  	v10 =	vld [tilespmem:s23+$0xFFFFFF80]  }
0x41: {  	v11 =	vld [tilespmem:s23+$0xFFFFFF90]  }
0x42: {  	v12 =	vld [tilespmem:s23+$0xFFFFFFA0]  }
0x43: {  	v59 =	vld [tilespmem:s23+$0xFFFFFFC0]  }
0x44: {  	v13 =	vld [tilespmem:s23+$0xFFFFFFD0]  }
0x45: {  	v14 =	vld [tilespmem:s23+$0xFFFFFFE0]  }
0x46: {  	[tilespmem:v1+s17+$0x0] =	vst.idx.add.f32.msk $0xffff, v4  }
0x47: {  	[tilespmem:v9+s17+$0x0] =	vst.idx.add.f32.msk $0xffff, v10  }
0x48: {  	v1 =	vadd.s32 $0x8000, v1;
	v4 =	vld [tilespmem:s23+$0x70]  }
0x49: {  	[tilespmem:v2+s17+$0x0] =	vst.idx.add.f32.msk $0xffff, v11  }
0x4a: {  	[tilespmem:v3+s17+$0x0] =	vst.idx.add.f32.msk $0xffff, v12  }
0x4b: {  	[tilespmem:v6+s17+$0x0] =	vst.idx.add.f32.msk $0xffff, v59  }
0x4c: {  	[tilespmem:v7+s17+$0x0] =	vst.idx.add.f32.msk $0xffff, v13  }
0x4d: {  	[tilespmem:v1+s17+$0x0] =	vst.idx.add.f32.msk $0xffff, v4  }
0x4e: {  	v1 =	vld [tilespmem:s23+$0xFFFFFFB0]  }
0x4f: {  	[tilespmem:v8+s17+$0x0] =	vst.idx.add.f32.msk $0xffff, v14  }
0x50: {  	v60 =	vld [tilespmem:s23+$0x10]  }
0x51: {  	v61 =	vld [tilespmem:s23+$0x20]  }
0x52: {  	v2 =	vadd.s32 $0x8000, v2;
	v63 =	vld [tilespmem:s23+$0x40]  }
0x53: {  	[tilespmem:v5+s17+$0x0] =	vst.idx.add.f32.msk $0xffff, v1  }
0x54: {  	v9 =	vadd.s32 $0x8000, v9;
	v1 =	vld [tilespmem:s23+$0x0]  }
0x55: {  	v3 =	vadd.s32 $0x8000, v3;
	v13 =	vld [tilespmem:s23+$0x50]  }
0x56: {  	v6 =	vadd.s32 $0x8000, v6;
	v14 =	vld [tilespmem:s23+$0x60]  }
0x57: {  	v7 =	vadd.s32 $0x8000, v7;
	[tilespmem:v2+s17+$0x0] =	vst.idx.add.f32.msk $0xffff, v60  }
0x58: {  	v5 =	vadd.s32 $0x8000, v5;
	v62 =	vld [tilespmem:s23+$0x30]  }
0x59: {  	[tilespmem:v9+s17+$0x0] =	vst.idx.add.f32.msk $0xffff, v1;
	v1 =	vadd.s32 $0x8000, v8  }
0x5a: {  	[tilespmem:v3+s17+$0x0] =	vst.idx.add.f32.msk $0xffff, v61  }
0x5b: {  	[tilespmem:v6+s17+$0x0] =	vst.idx.add.f32.msk $0xffff, v63  }
0x5c: {  	[tilespmem:v7+s17+$0x0] =	vst.idx.add.f32.msk $0xffff, v13  }
0x5d: {  	[tilespmem:v5+s17+$0x0] =	vst.idx.add.f32.msk $0xffff, v62  }
0x5e: {  	s25 =	simm.s32 $0xC0;
	s24 =	simm.s32 $0x0;
	[tilespmem:v1+s17+$0x0] =	vst.idx.add.f32.msk $0xffff, v14  }
.LBB2_9:
0x5f: {  	v1 =	vld [tilespmem:s25+$0x30];
	s24 =	sadd.s32 $0x8, s24  }
0x60: {  	v2 =	vld [tilespmem:s25+$0xFFFFFFD0];
	p0 =	slt.u32 s24, $0x1F8  }
0x61: {  	s23 =	sadd.s32 $0x100, s23;
	v3 =	vld [tilespmem:s25+$0xFFFFFFE0]  }
0x62: {  	v4 =	vld [tilespmem:s23+$0xFFFFFFF0]  }
0x63: {  	v5 =	vld [tilespmem:s25+$0xFFFFFFF0]  }
0x64: {  	v6 =	vld [tilespmem:s25+$0x0]  }
0x65: {  	v7 =	vadd.s32 $0x8000, v2;
	v8 =	vld [tilespmem:s25+$0x10]  }
0x66: {  	v9 =	vadd.s32 $0x8000, v3;
	v10 =	vld [tilespmem:s25+$0x20]  }
0x67: {  	[tilespmem:v1+s17+$0x0] =	vst.idx.add.f32.msk $0xffff, v4  }
0x68: {  	v1 =	vadd.s32 $0x8000, v1;
	v4 =	vadd.s32 $0x8000, v5;
	v11 =	vld [tilespmem:s23+$0x70]  }
0x69: {  	v12 =	vld [tilespmem:s25+$0xFFFFFFC0];
	v13 =	vadd.s32 $0x8000, v6  }
0x6a: {  	v14 =	vld [tilespmem:s23+$0xFFFFFF80];
	v15 =	vadd.s32 $0x8000, v8  }
0x6b: {  	v16 =	vld [tilespmem:s23+$0xFFFFFF90];
	v17 =	vadd.s32 $0x8000, v10  }
0x6c: {  	v18 =	vld [tilespmem:s23+$0xFFFFFFA0]  }
0x6d: {  	[tilespmem:v1+s17+$0x0] =	vst.idx.add.f32.msk $0xffff, v11  }
0x6e: {  	v1 =	vadd.s32 $0x8000, v12;
	v11 =	vld [tilespmem:s23+$0xFFFFFFB0]  }
0x6f: {  	v19 =	vld [tilespmem:s23+$0xFFFFFFC0]  }
0x70: {  	v20 =	vld [tilespmem:s23+$0xFFFFFFD0]  }
0x71: {  	v21 =	vld [tilespmem:s23+$0xFFFFFFE0]  }
0x72: {  	[tilespmem:v12+s17+$0x0] =	vst.idx.add.f32.msk $0xffff, v14  }
0x73: {  	[tilespmem:v2+s17+$0x0] =	vst.idx.add.f32.msk $0xffff, v16  }
0x74: {  	[tilespmem:v3+s17+$0x0] =	vst.idx.add.f32.msk $0xffff, v18  }
0x75: {  	[tilespmem:v5+s17+$0x0] =	vst.idx.add.f32.msk $0xffff, v11  }
0x76: {  	[tilespmem:v6+s17+$0x0] =	vst.idx.add.f32.msk $0xffff, v19  }
0x77: {  	[tilespmem:v8+s17+$0x0] =	vst.idx.add.f32.msk $0xffff, v20  }
0x78: {  	[tilespmem:v10+s17+$0x0] =	vst.idx.add.f32.msk $0xffff, v21  }
0x79: {  	v2 =	vld [tilespmem:s23+$0x0]  }
0x7a: {  	v3 =	vld [tilespmem:s23+$0x10]  }
0x7b: {  	v5 =	vld [tilespmem:s23+$0x20]  }
0x7c: {  	v6 =	vld [tilespmem:s23+$0x30]  }
0x7d: {  	v8 =	vld [tilespmem:s23+$0x40]  }
0x7e: {  	v10 =	vld [tilespmem:s23+$0x50]  }
0x7f: {  	v11 =	vld [tilespmem:s23+$0x60]  }
0x80: {  	[tilespmem:v1+s17+$0x0] =	vst.idx.add.f32.msk $0xffff, v2  }
0x81: {  	[tilespmem:v7+s17+$0x0] =	vst.idx.add.f32.msk $0xffff, v3  }
.Ltmp3:
0x82: {  	[tilespmem:v9+s17+$0x0] =	vst.idx.add.f32.msk $0xffff, v5;
	(pc) =	sbr.rel @p0 .LBB2_9-.Ltmp3, $4  }
0x83: {  	[tilespmem:v4+s17+$0x0] =	vst.idx.add.f32.msk $0xffff, v6  }
0x84: {  	[tilespmem:v13+s17+$0x0] =	vst.idx.add.f32.msk $0xffff, v8  }
0x85: {  	[tilespmem:v15+s17+$0x0] =	vst.idx.add.f32.msk $0xffff, v10  }
0x86: {  	s25 =	sadd.s32 $0x80, s25;
	[tilespmem:v17+s17+$0x0] =	vst.idx.add.f32.msk $0xffff, v11  }
0x87: {  	p0 =	seq.s32 s21, $0xF  }
.Ltmp4:
0x88: {  	_ = 	snop;
	(pc) =	sbr.rel @p0 .LBB2_14-.Ltmp4, $4  }
0x89: {  	_ = 	snop  }
0x8a: {  	_ =	swait.ge [sflag:s14], $0x4000  }
0x8b: {  	[sflag:s14] =	ssyncset.done $0x0  }
0x8c: {  	[sflag:s14] =	ssyncadd.s32 $0xFFFFC000  }
0x8d: {  	s22 =	sadd.s32 s8, s22  }
0x8e: {  	s22 =	sshrl.u32 s22, $0x3  }
0x8f: {  	s23 =	simm.s32 $0x4000;
	s22 =	sadd.s32 s3, s22  }
0x90: {  	s24 =	simm.s32 $0x40;
	s25 =	simm.s32 $0x4100;
	s26 =	sadd.s32 $0x0, s22  }
.LBB2_12:
0x91: {  	[tilespmem:s23], [sflag:$0x1] =	stream.strided.gather [hbm4b:s26+s12], $0x100, s15, s12, $0x38;
	[tilespmem:$0x1D000] =	vst v63  }
0x92: {  	s26 =	smov.u32 s24;
	s23 =	smov.u32 s25;
	p0 =	sne.s32 s24, $0xFC0  }
.Ltmp5:
0x93: {  	s24 =	sadd.s32 $0x40, s24;
	(pc) =	sbr.rel @p0 .LBB2_12-.Ltmp5, $2  }
0x94: {  	_ =	sdelay $0x2  }
0x95: {  	s25 =	sadd.s32 $0x100, s25;
	s26 =	sadd.s32 s26, s22  }
0x96: {  	[tilespmem:s23], [sflag:$0x1] =	stream.strided.gather [hbm4b:s26+s12], $0x100, s15, s12, $0x38;
	[tilespmem:$0x1D000] =	vst v63  }
.LBB2_14:
0x97: {  	s22 =	simm.s32 $0x2070  }
0x98: {  	v1 =	vld [tilespmem:s22+$0x0]  }
0x99: {  	v2 =	vld [tilespmem:s22+$0xFFFFFFA0]  }
0x9a: {  	s23 =	simm.s32 $0x8000;
	v3 =	vld [tilespmem:s22+$0xFFFFFFB0]  }
0x9b: {  	v4 =	vld [tilespmem:s23+$0x70]  }
0x9c: {  	v5 =	vld [tilespmem:s22+$0xFFFFFFC0]  }
0x9d: {  	v6 =	vld [tilespmem:s22+$0xFFFFFFD0]  }
0x9e: {  	v7 =	vld [tilespmem:s22+$0xFFFFFFE0]  }
0x9f: {  	v8 =	vld [tilespmem:s22+$0xFFFFFFF0]  }
0xa0: {  	v9 =	vld [tilespmem:s22+$0xFFFFFF90]  }
0xa1: {  	v10 =	vld [tilespmem:s23+$0x0]  }
0xa2: {  	v11 =	vld [tilespmem:s23+$0x10]  }
0xa3: {  	v12 =	vld [tilespmem:s23+$0x20]  }
0xa4: {  	v59 =	vld [tilespmem:s23+$0x40]  }
0xa5: {  	v13 =	vld [tilespmem:s23+$0x50]  }
0xa6: {  	v14 =	vld [tilespmem:s23+$0x60]  }
0xa7: {  	[tilespmem:v1+s17+$0x0] =	vst.idx.add.f32.msk $0xffff, v4  }
0xa8: {  	[tilespmem:v9+s17+$0x0] =	vst.idx.add.f32.msk $0xffff, v10  }
0xa9: {  	v1 =	vadd.s32 $0x8000, v1;
	v4 =	vld [tilespmem:s23+$0xF0]  }
0xaa: {  	[tilespmem:v2+s17+$0x0] =	vst.idx.add.f32.msk $0xffff, v11  }
0xab: {  	[tilespmem:v3+s17+$0x0] =	vst.idx.add.f32.msk $0xffff, v12  }
0xac: {  	[tilespmem:v6+s17+$0x0] =	vst.idx.add.f32.msk $0xffff, v59  }
0xad: {  	[tilespmem:v7+s17+$0x0] =	vst.idx.add.f32.msk $0xffff, v13  }
0xae: {  	[tilespmem:v1+s17+$0x0] =	vst.idx.add.f32.msk $0xffff, v4  }
0xaf: {  	v1 =	vld [tilespmem:s23+$0x30]  }
0xb0: {  	[tilespmem:v8+s17+$0x0] =	vst.idx.add.f32.msk $0xffff, v14  }
0xb1: {  	v60 =	vld [tilespmem:s23+$0x90]  }
0xb2: {  	v61 =	vld [tilespmem:s23+$0xA0]  }
0xb3: {  	v2 =	vadd.s32 $0x8000, v2;
	v63 =	vld [tilespmem:s23+$0xC0]  }
0xb4: {  	[tilespmem:v5+s17+$0x0] =	vst.idx.add.f32.msk $0xffff, v1  }
0xb5: {  	v9 =	vadd.s32 $0x8000, v9;
	v1 =	vld [tilespmem:s23+$0x80]  }
0xb6: {  	v3 =	vadd.s32 $0x8000, v3;
	v13 =	vld [tilespmem:s23+$0xD0]  }
0xb7: {  	v6 =	vadd.s32 $0x8000, v6;
	v14 =	vld [tilespmem:s23+$0xE0]  }
0xb8: {  	v7 =	vadd.s32 $0x8000, v7;
	[tilespmem:v2+s17+$0x0] =	vst.idx.add.f32.msk $0xffff, v60  }
0xb9: {  	v5 =	vadd.s32 $0x8000, v5;
	v62 =	vld [tilespmem:s23+$0xB0]  }
0xba: {  	[tilespmem:v9+s17+$0x0] =	vst.idx.add.f32.msk $0xffff, v1;
	v1 =	vadd.s32 $0x8000, v8  }
0xbb: {  	[tilespmem:v3+s17+$0x0] =	vst.idx.add.f32.msk $0xffff, v61  }
0xbc: {  	[tilespmem:v6+s17+$0x0] =	vst.idx.add.f32.msk $0xffff, v63  }
0xbd: {  	[tilespmem:v7+s17+$0x0] =	vst.idx.add.f32.msk $0xffff, v13  }
0xbe: {  	s25 =	simm.s32 $0x0;
	[tilespmem:v5+s17+$0x0] =	vst.idx.add.f32.msk $0xffff, v62  }
0xbf: {  	s24 =	simm.s32 $0xC080;
	s26 =	simm.s32 $0x20F0;
	s22 =	sadd.s32 $0x1, s21;
	[tilespmem:v1+s17+$0x0] =	vst.idx.add.f32.msk $0xffff, v14  }
.LBB2_15:
0xc0: {  	v1 =	vld [tilespmem:s26+$0x0];
	s25 =	sadd.s32 $0x8, s25  }
0xc1: {  	v2 =	vld [tilespmem:s26+$0xFFFFFFA0];
	p0 =	slt.u32 s25, $0x1F8  }
0xc2: {  	s23 =	sadd.s32 $0x100, s23;
	v3 =	vld [tilespmem:s26+$0xFFFFFFB0]  }
0xc3: {  	v4 =	vld [tilespmem:s23+$0x70]  }
0xc4: {  	v5 =	vld [tilespmem:s26+$0xFFFFFFC0]  }
0xc5: {  	v6 =	vld [tilespmem:s26+$0xFFFFFFD0]  }
0xc6: {  	v7 =	vadd.s32 $0x8000, v2;
	v8 =	vld [tilespmem:s26+$0xFFFFFFE0]  }
0xc7: {  	v9 =	vadd.s32 $0x8000, v3;
	v10 =	vld [tilespmem:s26+$0xFFFFFFF0]  }
0xc8: {  	[tilespmem:v1+s17+$0x0] =	vst.idx.add.f32.msk $0xffff, v4  }
0xc9: {  	v1 =	vadd.s32 $0x8000, v1;
	v4 =	vadd.s32 $0x8000, v5;
	v11 =	vld [tilespmem:s23+$0xF0]  }
0xca: {  	v12 =	vld [tilespmem:s26+$0xFFFFFF90];
	v13 =	vadd.s32 $0x8000, v6  }
0xcb: {  	v14 =	vld [tilespmem:s23+$0x0];
	v15 =	vadd.s32 $0x8000, v8  }
0xcc: {  	v16 =	vld [tilespmem:s23+$0x10];
	v17 =	vadd.s32 $0x8000, v10  }
0xcd: {  	v18 =	vld [tilespmem:s23+$0x20]  }
0xce: {  	[tilespmem:v1+s17+$0x0] =	vst.idx.add.f32.msk $0xffff, v11;
	v1 =	vimm.f32 $0.0e+00  }
0xcf: {  	v11 =	vadd.s32 $0x8000, v12;
	v19 =	vld [tilespmem:s23+$0x30]  }
0xd0: {  	v20 =	vld [tilespmem:s23+$0x40]  }
0xd1: {  	v21 =	vld [tilespmem:s23+$0x50]  }
0xd2: {  	v22 =	vld [tilespmem:s23+$0x60]  }
0xd3: {  	[tilespmem:v12+s17+$0x0] =	vst.idx.add.f32.msk $0xffff, v14  }
0xd4: {  	[tilespmem:v2+s17+$0x0] =	vst.idx.add.f32.msk $0xffff, v16  }
0xd5: {  	[tilespmem:v3+s17+$0x0] =	vst.idx.add.f32.msk $0xffff, v18  }
0xd6: {  	[tilespmem:v5+s17+$0x0] =	vst.idx.add.f32.msk $0xffff, v19  }
0xd7: {  	[tilespmem:v6+s17+$0x0] =	vst.idx.add.f32.msk $0xffff, v20  }
0xd8: {  	[tilespmem:v8+s17+$0x0] =	vst.idx.add.f32.msk $0xffff, v21  }
0xd9: {  	[tilespmem:v10+s17+$0x0] =	vst.idx.add.f32.msk $0xffff, v22  }
0xda: {  	v2 =	vld [tilespmem:s23+$0x80]  }
0xdb: {  	v3 =	vld [tilespmem:s23+$0x90]  }
0xdc: {  	v5 =	vld [tilespmem:s23+$0xA0]  }
0xdd: {  	v6 =	vld [tilespmem:s23+$0xB0]  }
0xde: {  	v8 =	vld [tilespmem:s23+$0xC0]  }
0xdf: {  	v10 =	vld [tilespmem:s23+$0xD0]  }
0xe0: {  	v12 =	vld [tilespmem:s23+$0xE0]  }
0xe1: {  	[tilespmem:v11+s17+$0x0] =	vst.idx.add.f32.msk $0xffff, v2  }
0xe2: {  	[tilespmem:v7+s17+$0x0] =	vst.idx.add.f32.msk $0xffff, v3  }
.Ltmp6:
0xe3: {  	[tilespmem:v9+s17+$0x0] =	vst.idx.add.f32.msk $0xffff, v5;
	(pc) =	sbr.rel @p0 .LBB2_15-.Ltmp6, $4  }
0xe4: {  	[tilespmem:v4+s17+$0x0] =	vst.idx.add.f32.msk $0xffff, v6  }
0xe5: {  	[tilespmem:v13+s17+$0x0] =	vst.idx.add.f32.msk $0xffff, v8  }
0xe6: {  	[tilespmem:v15+s17+$0x0] =	vst.idx.add.f32.msk $0xffff, v10  }
0xe7: {  	s26 =	sadd.s32 $0x80, s26;
	[tilespmem:v17+s17+$0x0] =	vst.idx.add.f32.msk $0xffff, v12  }
0xe8: {  	v5 =	vld [tilespmem:s24+$0x40]  }
0xe9: {  	v2 =	vld [tilespmem:s24+$0x50]  }
0xea: {  	v3 =	vld [tilespmem:s24+$0x60]  }
0xeb: {  	v9 =	vld [tilespmem:s24+$0x0]  }
0xec: {  	v4 =	vld [tilespmem:s24+$0x10]  }
0xed: {  	v6 =	vld [tilespmem:s24+$0x20]  }
0xee: {  	v10 =	vld [tilespmem:s24+$0xFFFFFFC0]  }
0xef: {  	v7 =	vld [tilespmem:s24+$0xFFFFFFD0]  }
0xf0: {  	v11 =	vld [tilespmem:s24+$0xFFFFFF80]  }
0xf1: {  	v8 =	vld [tilespmem:s24+$0xFFFFFFE0]  }
0xf2: {  	v14 =	vld [tilespmem:s24+$0xFFFFFF90]  }
0xf3: {  	v15 =	vld [tilespmem:s24+$0xFFFFFFA0]  }
0xf4: {  	v16 =	vld [tilespmem:s24+$0xFFFFFFB0]  }
0xf5: {  	v13 =	vld [tilespmem:s24+$0xFFFFFFF0];
	v11 =	vmax.f32 v1, v11  }
0xf6: {  	v12 =	vld [tilespmem:s24+$0x30];
	v10 =	vmax.f32 v11, v10  }
0xf7: {  	s23 =	simm.s32 $0x0;
	v11 =	vimm.f32 $0.0e+00;
	v17 =	vmax.f32 v10, v9;
	v9 =	vld [tilespmem:s24+$0x70];
	s24 =	simm.s32 $0xC180;
	v10 =	vimm.f32 $0.0e+00  }
.LBB2_17:
0xf8: {  	v17 =	vmax.f32 v17, v5;
	v5 =	vld [tilespmem:s24+$0x40]  }
0xf9: {  	v1 =	vmax.f32 v1, v14;
	v10 =	vmax.f32 v10, v15;
	v18 =	vld [tilespmem:s24+$0x50];
	v11 =	vmax.f32 v11, v16  }
0xfa: {  	v1 =	vmax.f32 v1, v7;
	v7 =	vmax.f32 v10, v8;
	v14 =	vld [tilespmem:s24+$0x60];
	v8 =	vmax.f32 v11, v13  }
0xfb: {  	v1 =	vmax.f32 v1, v4;
	v6 =	vmax.f32 v7, v6;
	v19 =	vld [tilespmem:s24+$0x0];
	v7 =	vmax.f32 v8, v12  }
0xfc: {  	v1 =	vmax.f32 v1, v2;
	v10 =	vmax.f32 v6, v3;
	v4 =	vld [tilespmem:s24+$0x10];
	v11 =	vmax.f32 v7, v9  }
0xfd: {  	v6 =	vld [tilespmem:s24+$0x20]  }
0xfe: {  	v9 =	vld [tilespmem:s24+$0xFFFFFFC0];
	v2 =	vmov v18  }
0xff: {  	v7 =	vld [tilespmem:s24+$0xFFFFFFD0];
	v3 =	vmov v14  }
0x100: {  	v12 =	vld [tilespmem:s24+$0xFFFFFF80]  }
0x101: {  	s23 =	sadd.s32 $0x4, s23;
	v8 =	vld [tilespmem:s24+$0xFFFFFFE0]  }
0x102: {  	p0 =	slt.u32 s23, $0x1FC;
	v14 =	vld [tilespmem:s24+$0xFFFFFF90]  }
.Ltmp7:
0x103: {  	v15 =	vld [tilespmem:s24+$0xFFFFFFA0];
	(pc) =	sbr.rel @p0 .LBB2_17-.Ltmp7, $4  }
0x104: {  	v16 =	vld [tilespmem:s24+$0xFFFFFFB0]  }
0x105: {  	v12 =	vmax.f32 v17, v12;
	v13 =	vld [tilespmem:s24+$0xFFFFFFF0]  }
0x106: {  	v9 =	vmax.f32 v12, v9;
	v12 =	vld [tilespmem:s24+$0x30]  }
0x107: {  	v17 =	vmax.f32 v9, v19;
	v9 =	vld [tilespmem:s24+$0x70];
	s24 =	sadd.s32 $0x100, s24  }
0x108: {  	s23 =	simm.s32 $0xC040  }
0x109: {  	[tilespmem:s23+$0xFFFFFFC0] =	vst v0  }
0x10a: {  	[tilespmem:s23+$0x30] =	vst v0  }
0x10b: {  	v5 =	vmax.f32 v17, v5;
	[tilespmem:s23+$0x20] =	vst v0  }
0x10c: {  	v1 =	vmax.f32 v1, v14;
	v10 =	vmax.f32 v10, v15;
	v11 =	vmax.f32 v11, v16;
	[tilespmem:s23+$0x10] =	vst v0  }
0x10d: {  	v1 =	vmax.f32 v1, v7;
	v7 =	vmax.f32 v10, v8;
	[tilespmem:s23+$0x0] =	vst v0;
	v63 =	vmax.f32 v11, v13  }
0x10e: {  	[tilespmem:s23+$0xFFFFFFF0] =	vst v0;
	v1 =	vmax.f32 v1, v4;
	v4 =	vmax.f32 v7, v6;
	v6 =	vmax.f32 v63, v12  }
0x10f: {  	s24 =	simm.s32 $0x0;
	[tilespmem:s23+$0xFFFFFFE0] =	vst v0;
	v1 =	vmax.f32 v1, v2;
	v2 =	vmax.f32 v4, v3;
	v3 =	vmax.f32 v6, v9  }
.LBB2_19:
0x110: {  	s24 =	sadd.s32 $0x8, s24;
	[tilespmem:s23+$0xFFFFFFD0] =	vst v0;
	s23 =	sadd.s32 $0x80, s23  }
0x111: {  	[tilespmem:s23+$0xFFFFFFC0] =	vst v0;
	p0 =	slt.u32 s24, $0x7F8  }
0x112: {  	[tilespmem:s23+$0x30] =	vst v0  }
.Ltmp8:
0x113: {  	[tilespmem:s23+$0x20] =	vst v0;
	(pc) =	sbr.rel @p0 .LBB2_19-.Ltmp8, $4  }
0x114: {  	[tilespmem:s23+$0x10] =	vst v0  }
0x115: {  	[tilespmem:s23+$0x0] =	vst v0  }
0x116: {  	[tilespmem:s23+$0xFFFFFFF0] =	vst v0  }
0x117: {  	[tilespmem:s23+$0xFFFFFFE0] =	vst v0  }
0x118: {  	v1 =	vmax.f32 v5, v1;
	v2 =	vmax.f32 v2, v3;
	s21 =	sshll.u32 s21, $0x8  }
0x119: {  	[tilespmem:s23+$0xFFFFFFD0] =	vst v0;
	v1 =	vmax.f32 v1, v2;
	s21 =	sand.u32 $0x3FFFFF00, s21  }
0x11a: {  	s31 =	simm.s32 $0x14000;
	[tilespmem:s21+$0x1C000] =	vst v1  }
0x11b: {  	v4 =	vld [tilespmem:s31+$0xC0]  }
0x11c: {  	v1 =	vld [tilespmem:s31+$0xD0]  }
0x11d: {  	v2 =	vld [tilespmem:s31+$0xE0]  }
0x11e: {  	v9 =	vld [tilespmem:s31+$0x80]  }
0x11f: {  	v3 =	vld [tilespmem:s31+$0x90]  }
0x120: {  	v5 =	vld [tilespmem:s31+$0xA0]  }
0x121: {  	v10 =	vld [tilespmem:s31+$0x40]  }
0x122: {  	v6 =	vld [tilespmem:s31+$0x50]  }
0x123: {  	v11 =	vld [tilespmem:s31+$0x0]  }
0x124: {  	v8 =	vld [tilespmem:s31+$0x60]  }
0x125: {  	v13 =	vld [tilespmem:s31+$0x10]  }
0x126: {  	v15 =	vld [tilespmem:s31+$0x20]  }
0x127: {  	v7 =	vimm.f32 $0.0e+00;
	v16 =	vld [tilespmem:s31+$0x30]  }
0x128: {  	v14 =	vld [tilespmem:s31+$0x70];
	v11 =	vmax.f32 v7, v11  }
0x129: {  	v12 =	vld [tilespmem:s31+$0xB0];
	v10 =	vmax.f32 v11, v10  }
0x12a: {  	s24 =	simm.s32 $0x0;
	s25 =	simm.s32 $0x14100;
	v11 =	vld [tilespmem:s31+$0xF0];
	v17 =	vmax.f32 v10, v9;
	v9 =	vimm.f32 $0.0e+00;
	v10 =	vimm.f32 $0.0e+00  }
.LBB2_21:
0x12b: {  	v17 =	vmax.f32 v17, v4;
	v4 =	vld [tilespmem:s25+$0xC0]  }
0x12c: {  	v7 =	vmax.f32 v7, v13;
	v9 =	vmax.f32 v9, v15;
	v18 =	vld [tilespmem:s25+$0xD0];
	v10 =	vmax.f32 v10, v16  }
0x12d: {  	v6 =	vmax.f32 v7, v6;
	v7 =	vmax.f32 v9, v8;
	v13 =	vld [tilespmem:s25+$0xE0];
	v8 =	vmax.f32 v10, v14  }
0x12e: {  	v6 =	vmax.f32 v6, v3;
	v5 =	vmax.f32 v7, v5;
	v19 =	vld [tilespmem:s25+$0x80];
	v8 =	vmax.f32 v8, v12  }
0x12f: {  	s23 =	simm.s32 $0x14070;
	v7 =	vmax.f32 v6, v1;
	v9 =	vmax.f32 v5, v2;
	v3 =	vld [tilespmem:s25+$0x90];
	v10 =	vmax.f32 v8, v11  }
0x130: {  	v5 =	vld [tilespmem:s25+$0xA0]  }
0x131: {  	v11 =	vld [tilespmem:s25+$0x40];
	v1 =	vmov v18  }
0x132: {  	v6 =	vld [tilespmem:s25+$0x50];
	v2 =	vmov v13  }
0x133: {  	v12 =	vld [tilespmem:s25+$0x0]  }
0x134: {  	s24 =	sadd.s32 $0x4, s24;
	v8 =	vld [tilespmem:s25+$0x60]  }
0x135: {  	p0 =	slt.u32 s24, $0x1FC;
	v13 =	vld [tilespmem:s25+$0x10]  }
.Ltmp9:
0x136: {  	v15 =	vld [tilespmem:s25+$0x20];
	(pc) =	sbr.rel @p0 .LBB2_21-.Ltmp9, $4  }
0x137: {  	v16 =	vld [tilespmem:s25+$0x30]  }
0x138: {  	v12 =	vmax.f32 v17, v12;
	v14 =	vld [tilespmem:s25+$0x70]  }
0x139: {  	v11 =	vmax.f32 v12, v11;
	v12 =	vld [tilespmem:s25+$0xB0]  }
0x13a: {  	v17 =	vmax.f32 v11, v19;
	v11 =	vld [tilespmem:s25+$0xF0];
	s25 =	sadd.s32 $0x100, s25  }
0x13b: {  	[tilespmem:s23+$0xFFFFFF90] =	vst v0  }
0x13c: {  	[tilespmem:s23+$0x0] =	vst v0  }
0x13d: {  	v4 =	vmax.f32 v17, v4;
	[tilespmem:s23+$0xFFFFFFF0] =	vst v0  }
0x13e: {  	v7 =	vmax.f32 v7, v13;
	v9 =	vmax.f32 v9, v15;
	[tilespmem:s23+$0xFFFFFFE0] =	vst v0;
	v10 =	vmax.f32 v10, v16  }
0x13f: {  	[tilespmem:s23+$0xFFFFFFD0] =	vst v0;
	v6 =	vmax.f32 v7, v6;
	v7 =	vmax.f32 v9, v8;
	v63 =	vmax.f32 v10, v14  }
0x140: {  	[tilespmem:s23+$0xFFFFFFC0] =	vst v0;
	v3 =	vmax.f32 v6, v3;
	v5 =	vmax.f32 v7, v5;
	v6 =	vmax.f32 v63, v12  }
0x141: {  	s24 =	simm.s32 $0x0;
	[tilespmem:s23+$0xFFFFFFB0] =	vst v0;
	v1 =	vmax.f32 v3, v1;
	v2 =	vmax.f32 v5, v2;
	v3 =	vmax.f32 v6, v11  }
.LBB2_23:
0x142: {  	s24 =	sadd.s32 $0x8, s24;
	[tilespmem:s23+$0xFFFFFFA0] =	vst v0;
	s23 =	sadd.s32 $0x80, s23  }
0x143: {  	[tilespmem:s23+$0xFFFFFF90] =	vst v0;
	p0 =	slt.u32 s24, $0x7F8  }
0x144: {  	[tilespmem:s23+$0x0] =	vst v0  }
.Ltmp10:
0x145: {  	[tilespmem:s23+$0xFFFFFFF0] =	vst v0;
	(pc) =	sbr.rel @p0 .LBB2_23-.Ltmp10, $4  }
0x146: {  	[tilespmem:s23+$0xFFFFFFE0] =	vst v0  }
0x147: {  	[tilespmem:s23+$0xFFFFFFD0] =	vst v0  }
0x148: {  	[tilespmem:s23+$0xFFFFFFC0] =	vst v0  }
0x149: {  	[tilespmem:s23+$0xFFFFFFB0] =	vst v0  }
0x14a: {  	p0 =	sne.s32 s22, $0x10  }
.Ltmp11:
0x14b: {  	_ = 	snop;
	(pc) =	sbr.rel @p0 .LBB2_6-.Ltmp11, $4  }
0x14c: {  	_ = 	snop  }
0x14d: {  	v1 =	vmax.f32 v4, v1;
	v2 =	vmax.f32 v2, v3  }
0x14e: {  	[tilespmem:s23+$0xFFFFFFA0] =	vst v0;
	v1 =	vmax.f32 v1, v2  }
0x14f: {  	[tilespmem:s21+$0x1C080] =	vst v1;
	s21 =	smov.u32 s22  }
0x150: {  	s20 =	sadd.s32 $0x1, s20  }
0x151: {  	p0 =	sne.s32 s20, s11  }
.Ltmp12:
0x152: {  	_ = 	snop;
	(pc) =	sbr.rel @p0 .LBB2_1-.Ltmp12, $4  }
0x153: {  	[hbm4b:s10+s2] =	stream.linear.scatter [tilespmem:s18], [sflag:$0x3], $0x1000, $0x38;
	[tilespmem:$0x1D000] =	vst v63  }
0x154: {  	_ =	swait.ge [sflag:s19], $0x1000  }
0x155: {  	[sflag:s19] =	ssyncset.done $0x0  }
0x156: {  	[sflag:s19] =	ssyncadd.s32 $0xFFFFF000  }
0x157: {  	_ =	sfence.sel $0x180000  }
0x158: {  	[bflag:$0x0] =	sbarrier.arrive $0xFFFF  }
0x159: {  	p0 =	sne.s32 s1, $0x0;
	_ =	strace $0x90000047  }
0x15a: {  	s0 =	sadd.s32 @!p0 $0x100000, s0;
	[bflag:$0x2] =	sbarrier.arrive $0xFFFF  }
0x15b: {  	[sflag:s0] =	ssyncadd.tile.s32 @!p0 $0x1;
	_ =	shalt  }
.Lfunc_end2:
_tile_overlayer_lowered:
.L_overlay_start_2:
0x15c: {  	(tag) =	ssettag $0x2  }
0x15d: {  	s0 =	rddreg [dreg:$0x0];
	s2 =	stileid.u32  }
0x15e: {  	s1 =	rddreg [dreg:$0x1];
	p0 =	sne.s32 s2, $0x0  }
0x15f: {  	s3 =	rddreg [dreg:$0x2];
	[bflag:$0x3] =	sbarrier.arrive $0xFFFF;
	s2 =	simm.s32 @!p0 $0x1C03  }
0x160: {  	[timem:s3], [sflag:s2] =	dma.local @!p0 [hbm:s0], s1  }
0x161: {  	s0 =	simm.s32 @!p0 $0x3  }
0x162: {  	_ =	swait.ge @!p0 [sflag:s0], s1  }
0x163: {  	s1 =	ssub.s32 @!p0 $0x0, s1;
	[sflag:s0] =	ssyncset.done @!p0 $0x0  }
0x164: {  	[sflag:s0] =	ssyncadd.s32 @!p0 s1  }
0x165: {  	[bflag:$0x3] =	sbarrier.arrive $0xFFFF  }
0x166: {  	_ =	shalt  }

</sc_bundles>
